<compile_context>
chip_gen: v7x
topology: tpu7x:2x2x1
jax: 0.10.2.dev20260603
libtpu: 0.0.44.dev20260713+nightly
codegen_flags: <defaults>
</compile_context>

<pallas_src>
import functools
import math

import jax
import jax.numpy as jnp
from jax import lax
from jax.experimental import pallas as pl
from jax.experimental.pallas import tpu as pltpu
from jax.experimental.pallas import tpu_sc as plsc

EMB = 32
LANES = 16
G = 16
NC = 2
NS = 16
NW = NC * NS
SCALE = float(math.sqrt(EMB))


def _make_emb(b: int, l: int):
    rows_per_w = b // NW
    steps = rows_per_w // G

    mesh = plsc.VectorSubcoreMesh(core_axis_name="c", subcore_axis_name="s")

    @functools.partial(
        pl.kernel,
        mesh=mesh,
        out_type=jax.ShapeDtypeStruct((b, l, EMB), jnp.float32),
        scratch_types=[
            pltpu.VMEM((G, l), jnp.int32),
            pltpu.VMEM((G, l, EMB), jnp.float32),
            pltpu.SemaphoreType.DMA,
        ],
        compiler_params=pltpu.CompilerParams(use_tc_tiling_on_sc=False),
    )
    def emb(tok_ref, table_ref, out_ref, idx_v, rows_v, sem):
        wid = lax.axis_index("s") * NC + lax.axis_index("c")
        row_base = wid * rows_per_w

        def step(s, carry):
            rb = row_base + s * G
            pltpu.sync_copy(tok_ref.at[pl.ds(rb, G)], idx_v)
            copies = [
                pltpu.async_copy(table_ref.at[idx_v.at[j]], rows_v.at[j], sem)
                for j in range(G)
            ]
            for c in copies:
                c.wait()

            def scale_body(t, c2):
                for j in range(G):
                    for h in range(EMB // LANES):
                        sl = pl.ds(h * LANES, LANES)
                        rows_v[j, t, sl] = rows_v[j, t, sl] * SCALE
                return c2

            lax.fori_loop(0, l, scale_body, 0)
            pltpu.sync_copy(rows_v, out_ref.at[pl.ds(rb, G)])
            return carry

        lax.fori_loop(0, steps, step, 0)

    return emb


def kernel(tokens, table):
    b, l = tokens.shape
    return _make_emb(b, l)(tokens, table)

# --- scband reference (transcript-rebuilt; emitter-appended) ---
"""Pipeline reference for scband-token-embedding-5214090298009 (READ-ONLY COPY).

The authoritative reference and input builder live on the scoring server;
editing this copy changes nothing except your own understanding.
"""

import jax, jax.numpy as jnp
import numpy as np
import math

VOCAB = 1000000
EMB = 32
PAD_IDX = 0
B = 16384
L = 50

def setup_inputs(seed: int = 0) -> dict:
    key = jax.random.key(seed)
    k1, k2 = jax.random.split(key)
    tokens = jax.random.randint(k1, (B, L), 0, VOCAB, dtype=jnp.int64 if jax.config.jax_enable_x64 else jnp.int32).astype(jnp.int32)
    table = jax.random.normal(k2, (VOCAB, EMB), dtype=jnp.float32)
    # nn.Embedding zeroes the padding_idx row at init
    table = table.at[PAD_IDX].set(0.0)
    return {"tokens": tokens, "table": table}

def reference(tokens, table):
    # TokenEmbedding.forward: embedding lookup scaled by sqrt(emb_size)
    emb = jnp.take(table, tokens, axis=0)
    return emb * math.sqrt(EMB)

if __name__ == "__main__":
    import jax
    _d = setup_inputs()
    print(jax.jit(kernel)(*tuple(_d.values())))

</pallas_src>

<mosaic_0001>
#map = affine_map<(d0, d1) -> (0, 0)>
#map1 = affine_map<(d0, d1) -> (0, 0, 0)>
module attributes {stable_mosaic.version = 14 : i64} {
  func.func @emb(%arg0: i32, %arg1: i32, %arg2: memref<16384x50xi32, #tpu.memory_space<hbm>>, %arg3: memref<1000000x32xf32, #tpu.memory_space<hbm>>, %arg4: memref<16384x50x32xf32, #tpu.memory_space<hbm>>, %arg5: memref<16x50xi32, #tpu.memory_space<vmem>>, %arg6: memref<16x50x32xf32, #tpu.memory_space<vmem>>, %arg7: memref<!tpu.dma_semaphore, #tpu.memory_space<semaphore_mem>>) attributes {dimension_semantics = [#tpu.dimension_semantics<core_parallel>, #tpu.dimension_semantics<subcore_parallel>], iteration_bounds = array<i64: 2, 16>, scalar_prefetch = 0 : i64, scratch_operands = 3 : i64, tpu.core_type = #tpu.core_type<sc_vector_subcore>, window_params = [{transform_indices = #map}, {transform_indices = #map}, {transform_indices = #map1}]} {
    %mul3A = arith.constant 2 : i32
    %mul3A_0 = arith.muli %arg1, %mul3A : i32
    %add3A = arith.addi %mul3A_0, %arg0 : i32
    %mul3A_1 = arith.constant 512 : i32
    %mul3A_2 = arith.muli %add3A, %mul3A_1 : i32
    %scan3A = arith.constant 0 : i32
    %scan3A_3 = arith.constant 0 : i32
    %scan3A_4 = arith.constant 32 : i32
    %scan3A_5 = arith.addi %scan3A_3, %scan3A_4 : i32
    %scan3A_6 = arith.constant 1 : i32
    scf.for %scan3A_8 = %scan3A_3 to %scan3A_5 step %scan3A_6  : i32 {
      %mul3A_9 = arith.constant 16 : i32
      %mul3A_10 = arith.muli %scan3A_8, %mul3A_9 : i32
      %add3A_11 = arith.addi %mul3A_2, %mul3A_10 : i32
      "tpu.region"() ({
        %run_scoped3A = tpu.sem_alloc : memref<!tpu.dma_semaphore, #tpu.memory_space<semaphore_mem>>
        %dma_start3A_400 = arith.constant 0 : i32
        %dma_start3A_401 = tpu.memref_slice %arg2[%add3A_11, %dma_start3A_400] : memref<16384x50xi32, #tpu.memory_space<hbm>> -> memref<16x50xi32, #tpu.memory_space<hbm>>
        %dma_start3A_402 = arith.constant 0 : i32
        %dma_start3A_403 = tpu.memref_slice %arg2[%add3A_11, %dma_start3A_402] : memref<16384x50xi32, #tpu.memory_space<hbm>> -> memref<16x50xi32, #tpu.memory_space<hbm>>
        tpu.enqueue_dma source(%dma_start3A_403 : memref<16x50xi32, #tpu.memory_space<hbm>>) target(%arg5 : memref<16x50xi32, #tpu.memory_space<vmem>>) target_semaphore(%run_scoped3A : memref<!tpu.dma_semaphore, #tpu.memory_space<semaphore_mem>>)
        %dma_wait3A_404 = arith.constant 0 : i32
        %dma_wait3A_405 = tpu.memref_slice %arg2[%add3A_11, %dma_wait3A_404] : memref<16384x50xi32, #tpu.memory_space<hbm>> -> memref<16x50xi32, #tpu.memory_space<hbm>>
        %dma_wait3A_406 = arith.constant 0 : i32
        %dma_wait3A_407 = tpu.memref_slice %arg2[%add3A_11, %dma_wait3A_406] : memref<16384x50xi32, #tpu.memory_space<hbm>> -> memref<16x50xi32, #tpu.memory_space<hbm>>
        tpu.wait_dma2 semaphore(%run_scoped3A : memref<!tpu.dma_semaphore, #tpu.memory_space<semaphore_mem>>) src(%dma_wait3A_407 : memref<16x50xi32, #tpu.memory_space<hbm>>) dst(%arg5 : memref<16x50xi32, #tpu.memory_space<vmem>>)
        tpu.yield
      }) : () -> ()
      %dma_start3A = arith.constant 0 : i32
      %dma_start3A_12 = arith.constant 0 : i32
      %dma_start3A_13 = arith.constant 0 : i32
      %dma_start3A_14 = arith.constant 0 : i32
      %dma_start3A_15 = tpu.memref_slice %arg6[%dma_start3A_12, %dma_start3A_13, %dma_start3A_14] : memref<16x50x32xf32, #tpu.memory_space<vmem>> -> memref<1x50x32xf32, #tpu.memory_space<vmem>>
      %dma_start3A_16 = tpu.memref_squeeze %dma_start3A_15 : memref<1x50x32xf32, #tpu.memory_space<vmem>> -> memref<50x32xf32, #tpu.memory_space<vmem>>
      %dma_start3A_17 = arith.constant 0 : i32
      %dma_start3A_18 = tpu.memref_slice %arg5[%dma_start3A, %dma_start3A_17] : memref<16x50xi32, #tpu.memory_space<vmem>> -> memref<1x50xi32, #tpu.memory_space<vmem>>
      %dma_start3A_19 = tpu.memref_squeeze %dma_start3A_18 : memref<1x50xi32, #tpu.memory_space<vmem>> -> memref<50xi32, #tpu.memory_space<vmem>>
      %dma_start3A_20 = arith.constant 0 : i32
      %dma_start3A_21 = arith.constant 0 : i32
      %dma_start3A_22 = tpu.memref_slice %arg3[%dma_start3A_20, %dma_start3A_21] : memref<1000000x32xf32, #tpu.memory_space<hbm>> -> memref<1000000x32xf32, #tpu.memory_space<hbm>>
      tpu.enqueue_indirect_dma source(%dma_start3A_22 : memref<1000000x32xf32, #tpu.memory_space<hbm>>) target(%dma_start3A_16 : memref<50x32xf32, #tpu.memory_space<vmem>>) offsets(%dma_start3A_19 : memref<50xi32, #tpu.memory_space<vmem>>) semaphore(%arg7 : memref<!tpu.dma_semaphore, #tpu.memory_space<semaphore_mem>>)
      %dma_start3A_23 = arith.constant 1 : i32
      %dma_start3A_24 = arith.constant 1 : i32
      %dma_start3A_25 = arith.constant 0 : i32
      %dma_start3A_26 = arith.constant 0 : i32
      %dma_start3A_27 = tpu.memref_slice %arg6[%dma_start3A_24, %dma_start3A_25, %dma_start3A_26] : memref<16x50x32xf32, #tpu.memory_space<vmem>> -> memref<1x50x32xf32, #tpu.memory_space<vmem>>
      %dma_start3A_28 = tpu.memref_squeeze %dma_start3A_27 : memref<1x50x32xf32, #tpu.memory_space<vmem>> -> memref<50x32xf32, #tpu.memory_space<vmem>>
      %dma_start3A_29 = arith.constant 0 : i32
      %dma_start3A_30 = tpu.memref_slice %arg5[%dma_start3A_23, %dma_start3A_29] : memref<16x50xi32, #tpu.memory_space<vmem>> -> memref<1x50xi32, #tpu.memory_space<vmem>>
      %dma_start3A_31 = tpu.memref_squeeze %dma_start3A_30 : memref<1x50xi32, #tpu.memory_space<vmem>> -> memref<50xi32, #tpu.memory_space<vmem>>
      %dma_start3A_32 = arith.constant 0 : i32
      %dma_start3A_33 = arith.constant 0 : i32
      %dma_start3A_34 = tpu.memref_slice %arg3[%dma_start3A_32, %dma_start3A_33] : memref<1000000x32xf32, #tpu.memory_space<hbm>> -> memref<1000000x32xf32, #tpu.memory_space<hbm>>
      tpu.enqueue_indirect_dma source(%dma_start3A_34 : memref<1000000x32xf32, #tpu.memory_space<hbm>>) target(%dma_start3A_28 : memref<50x32xf32, #tpu.memory_space<vmem>>) offsets(%dma_start3A_31 : memref<50xi32, #tpu.memory_space<vmem>>) semaphore(%arg7 : memref<!tpu.dma_semaphore, #tpu.memory_space<semaphore_mem>>)
      %dma_start3A_35 = arith.constant 2 : i32
      %dma_start3A_36 = arith.constant 2 : i32
      %dma_start3A_37 = arith.constant 0 : i32
      %dma_start3A_38 = arith.constant 0 : i32
      %dma_start3A_39 = tpu.memref_slice %arg6[%dma_start3A_36, %dma_start3A_37, %dma_start3A_38] : memref<16x50x32xf32, #tpu.memory_space<vmem>> -> memref<1x50x32xf32, #tpu.memory_space<vmem>>
      %dma_start3A_40 = tpu.memref_squeeze %dma_start3A_39 : memref<1x50x32xf32, #tpu.memory_space<vmem>> -> memref<50x32xf32, #tpu.memory_space<vmem>>
      %dma_start3A_41 = arith.constant 0 : i32
      %dma_start3A_42 = tpu.memref_slice %arg5[%dma_start3A_35, %dma_start3A_41] : memref<16x50xi32, #tpu.memory_space<vmem>> -> memref<1x50xi32, #tpu.memory_space<vmem>>
      %dma_start3A_43 = tpu.memref_squeeze %dma_start3A_42 : memref<1x50xi32, #tpu.memory_space<vmem>> -> memref<50xi32, #tpu.memory_space<vmem>>
      %dma_start3A_44 = arith.constant 0 : i32
      %dma_start3A_45 = arith.constant 0 : i32
      %dma_start3A_46 = tpu.memref_slice %arg3[%dma_start3A_44, %dma_start3A_45] : memref<1000000x32xf32, #tpu.memory_space<hbm>> -> memref<1000000x32xf32, #tpu.memory_space<hbm>>
      tpu.enqueue_indirect_dma source(%dma_start3A_46 : memref<1000000x32xf32, #tpu.memory_space<hbm>>) target(%dma_start3A_40 : memref<50x32xf32, #tpu.memory_space<vmem>>) offsets(%dma_start3A_43 : memref<50xi32, #tpu.memory_space<vmem>>) semaphore(%arg7 : memref<!tpu.dma_semaphore, #tpu.memory_space<semaphore_mem>>)
      %dma_start3A_47 = arith.constant 3 : i32
      %dma_start3A_48 = arith.constant 3 : i32
      %dma_start3A_49 = arith.constant 0 : i32
      %dma_start3A_50 = arith.constant 0 : i32
      %dma_start3A_51 = tpu.memref_slice %arg6[%dma_start3A_48, %dma_start3A_49, %dma_start3A_50] : memref<16x50x32xf32, #tpu.memory_space<vmem>> -> memref<1x50x32xf32, #tpu.memory_space<vmem>>
      %dma_start3A_52 = tpu.memref_squeeze %dma_start3A_51 : memref<1x50x32xf32, #tpu.memory_space<vmem>> -> memref<50x32xf32, #tpu.memory_space<vmem>>
      %dma_start3A_53 = arith.constant 0 : i32
      %dma_start3A_54 = tpu.memref_slice %arg5[%dma_start3A_47, %dma_start3A_53] : memref<16x50xi32, #tpu.memory_space<vmem>> -> memref<1x50xi32, #tpu.memory_space<vmem>>
      %dma_start3A_55 = tpu.memref_squeeze %dma_start3A_54 : memref<1x50xi32, #tpu.memory_space<vmem>> -> memref<50xi32, #tpu.memory_space<vmem>>
      %dma_start3A_56 = arith.constant 0 : i32
      %dma_start3A_57 = arith.constant 0 : i32
      %dma_start3A_58 = tpu.memref_slice %arg3[%dma_start3A_56, %dma_start3A_57] : memref<1000000x32xf32, #tpu.memory_space<hbm>> -> memref<1000000x32xf32, #tpu.memory_space<hbm>>
      tpu.enqueue_indirect_dma source(%dma_start3A_58 : memref<1000000x32xf32, #tpu.memory_space<hbm>>) target(%dma_start3A_52 : memref<50x32xf32, #tpu.memory_space<vmem>>) offsets(%dma_start3A_55 : memref<50xi32, #tpu.memory_space<vmem>>) semaphore(%arg7 : memref<!tpu.dma_semaphore, #tpu.memory_space<semaphore_mem>>)
      %dma_start3A_59 = arith.constant 4 : i32
      %dma_start3A_60 = arith.constant 4 : i32
      %dma_start3A_61 = arith.constant 0 : i32
      %dma_start3A_62 = arith.constant 0 : i32
      %dma_start3A_63 = tpu.memref_slice %arg6[%dma_start3A_60, %dma_start3A_61, %dma_start3A_62] : memref<16x50x32xf32, #tpu.memory_space<vmem>> -> memref<1x50x32xf32, #tpu.memory_space<vmem>>
      %dma_start3A_64 = tpu.memref_squeeze %dma_start3A_63 : memref<1x50x32xf32, #tpu.memory_space<vmem>> -> memref<50x32xf32, #tpu.memory_space<vmem>>
      %dma_start3A_65 = arith.constant 0 : i32
      %dma_start3A_66 = tpu.memref_slice %arg5[%dma_start3A_59, %dma_start3A_65] : memref<16x50xi32, #tpu.memory_space<vmem>> -> memref<1x50xi32, #tpu.memory_space<vmem>>
      %dma_start3A_67 = tpu.memref_squeeze %dma_start3A_66 : memref<1x50xi32, #tpu.memory_space<vmem>> -> memref<50xi32, #tpu.memory_space<vmem>>
      %dma_start3A_68 = arith.constant 0 : i32
      %dma_start3A_69 = arith.constant 0 : i32
      %dma_start3A_70 = tpu.memref_slice %arg3[%dma_start3A_68, %dma_start3A_69] : memref<1000000x32xf32, #tpu.memory_space<hbm>> -> memref<1000000x32xf32, #tpu.memory_space<hbm>>
      tpu.enqueue_indirect_dma source(%dma_start3A_70 : memref<1000000x32xf32, #tpu.memory_space<hbm>>) target(%dma_start3A_64 : memref<50x32xf32, #tpu.memory_space<vmem>>) offsets(%dma_start3A_67 : memref<50xi32, #tpu.memory_space<vmem>>) semaphore(%arg7 : memref<!tpu.dma_semaphore, #tpu.memory_space<semaphore_mem>>)
      %dma_start3A_71 = arith.constant 5 : i32
      %dma_start3A_72 = arith.constant 5 : i32
      %dma_start3A_73 = arith.constant 0 : i32
      %dma_start3A_74 = arith.constant 0 : i32
      %dma_start3A_75 = tpu.memref_slice %arg6[%dma_start3A_72, %dma_start3A_73, %dma_start3A_74] : memref<16x50x32xf32, #tpu.memory_space<vmem>> -> memref<1x50x32xf32, #tpu.memory_space<vmem>>
      %dma_start3A_76 = tpu.memref_squeeze %dma_start3A_75 : memref<1x50x32xf32, #tpu.memory_space<vmem>> -> memref<50x32xf32, #tpu.memory_space<vmem>>
      %dma_start3A_77 = arith.constant 0 : i32
      %dma_start3A_78 = tpu.memref_slice %arg5[%dma_start3A_71, %dma_start3A_77] : memref<16x50xi32, #tpu.memory_space<vmem>> -> memref<1x50xi32, #tpu.memory_space<vmem>>
      %dma_start3A_79 = tpu.memref_squeeze %dma_start3A_78 : memref<1x50xi32, #tpu.memory_space<vmem>> -> memref<50xi32, #tpu.memory_space<vmem>>
      %dma_start3A_80 = arith.constant 0 : i32
      %dma_start3A_81 = arith.constant 0 : i32
      %dma_start3A_82 = tpu.memref_slice %arg3[%dma_start3A_80, %dma_start3A_81] : memref<1000000x32xf32, #tpu.memory_space<hbm>> -> memref<1000000x32xf32, #tpu.memory_space<hbm>>
      tpu.enqueue_indirect_dma source(%dma_start3A_82 : memref<1000000x32xf32, #tpu.memory_space<hbm>>) target(%dma_start3A_76 : memref<50x32xf32, #tpu.memory_space<vmem>>) offsets(%dma_start3A_79 : memref<50xi32, #tpu.memory_space<vmem>>) semaphore(%arg7 : memref<!tpu.dma_semaphore, #tpu.memory_space<semaphore_mem>>)
      %dma_start3A_83 = arith.constant 6 : i32
      %dma_start3A_84 = arith.constant 6 : i32
      %dma_start3A_85 = arith.constant 0 : i32
      %dma_start3A_86 = arith.constant 0 : i32
      %dma_start3A_87 = tpu.memref_slice %arg6[%dma_start3A_84, %dma_start3A_85, %dma_start3A_86] : memref<16x50x32xf32, #tpu.memory_space<vmem>> -> memref<1x50x32xf32, #tpu.memory_space<vmem>>
      %dma_start3A_88 = tpu.memref_squeeze %dma_start3A_87 : memref<1x50x32xf32, #tpu.memory_space<vmem>> -> memref<50x32xf32, #tpu.memory_space<vmem>>
      %dma_start3A_89 = arith.constant 0 : i32
      %dma_start3A_90 = tpu.memref_slice %arg5[%dma_start3A_83, %dma_start3A_89] : memref<16x50xi32, #tpu.memory_space<vmem>> -> memref<1x50xi32, #tpu.memory_space<vmem>>
      %dma_start3A_91 = tpu.memref_squeeze %dma_start3A_90 : memref<1x50xi32, #tpu.memory_space<vmem>> -> memref<50xi32, #tpu.memory_space<vmem>>
      %dma_start3A_92 = arith.constant 0 : i32
      %dma_start3A_93 = arith.constant 0 : i32
      %dma_start3A_94 = tpu.memref_slice %arg3[%dma_start3A_92, %dma_start3A_93] : memref<1000000x32xf32, #tpu.memory_space<hbm>> -> memref<1000000x32xf32, #tpu.memory_space<hbm>>
      tpu.enqueue_indirect_dma source(%dma_start3A_94 : memref<1000000x32xf32, #tpu.memory_space<hbm>>) target(%dma_start3A_88 : memref<50x32xf32, #tpu.memory_space<vmem>>) offsets(%dma_start3A_91 : memref<50xi32, #tpu.memory_space<vmem>>) semaphore(%arg7 : memref<!tpu.dma_semaphore, #tpu.memory_space<semaphore_mem>>)
      %dma_start3A_95 = arith.constant 7 : i32
      %dma_start3A_96 = arith.constant 7 : i32
      %dma_start3A_97 = arith.constant 0 : i32
      %dma_start3A_98 = arith.constant 0 : i32
      %dma_start3A_99 = tpu.memref_slice %arg6[%dma_start3A_96, %dma_start3A_97, %dma_start3A_98] : memref<16x50x32xf32, #tpu.memory_space<vmem>> -> memref<1x50x32xf32, #tpu.memory_space<vmem>>
      %dma_start3A_100 = tpu.memref_squeeze %dma_start3A_99 : memref<1x50x32xf32, #tpu.memory_space<vmem>> -> memref<50x32xf32, #tpu.memory_space<vmem>>
      %dma_start3A_101 = arith.constant 0 : i32
      %dma_start3A_102 = tpu.memref_slice %arg5[%dma_start3A_95, %dma_start3A_101] : memref<16x50xi32, #tpu.memory_space<vmem>> -> memref<1x50xi32, #tpu.memory_space<vmem>>
      %dma_start3A_103 = tpu.memref_squeeze %dma_start3A_102 : memref<1x50xi32, #tpu.memory_space<vmem>> -> memref<50xi32, #tpu.memory_space<vmem>>
      %dma_start3A_104 = arith.constant 0 : i32
      %dma_start3A_105 = arith.constant 0 : i32
      %dma_start3A_106 = tpu.memref_slice %arg3[%dma_start3A_104, %dma_start3A_105] : memref<1000000x32xf32, #tpu.memory_space<hbm>> -> memref<1000000x32xf32, #tpu.memory_space<hbm>>
      tpu.enqueue_indirect_dma source(%dma_start3A_106 : memref<1000000x32xf32, #tpu.memory_space<hbm>>) target(%dma_start3A_100 : memref<50x32xf32, #tpu.memory_space<vmem>>) offsets(%dma_start3A_103 : memref<50xi32, #tpu.memory_space<vmem>>) semaphore(%arg7 : memref<!tpu.dma_semaphore, #tpu.memory_space<semaphore_mem>>)
      %dma_start3A_107 = arith.constant 8 : i32
      %dma_start3A_108 = arith.constant 8 : i32
      %dma_start3A_109 = arith.constant 0 : i32
      %dma_start3A_110 = arith.constant 0 : i32
      %dma_start3A_111 = tpu.memref_slice %arg6[%dma_start3A_108, %dma_start3A_109, %dma_start3A_110] : memref<16x50x32xf32, #tpu.memory_space<vmem>> -> memref<1x50x32xf32, #tpu.memory_space<vmem>>
      %dma_start3A_112 = tpu.memref_squeeze %dma_start3A_111 : memref<1x50x32xf32, #tpu.memory_space<vmem>> -> memref<50x32xf32, #tpu.memory_space<vmem>>
      %dma_start3A_113 = arith.constant 0 : i32
      %dma_start3A_114 = tpu.memref_slice %arg5[%dma_start3A_107, %dma_start3A_113] : memref<16x50xi32, #tpu.memory_space<vmem>> -> memref<1x50xi32, #tpu.memory_space<vmem>>
      %dma_start3A_115 = tpu.memref_squeeze %dma_start3A_114 : memref<1x50xi32, #tpu.memory_space<vmem>> -> memref<50xi32, #tpu.memory_space<vmem>>
      %dma_start3A_116 = arith.constant 0 : i32
      %dma_start3A_117 = arith.constant 0 : i32
      %dma_start3A_118 = tpu.memref_slice %arg3[%dma_start3A_116, %dma_start3A_117] : memref<1000000x32xf32, #tpu.memory_space<hbm>> -> memref<1000000x32xf32, #tpu.memory_space<hbm>>
      tpu.enqueue_indirect_dma source(%dma_start3A_118 : memref<1000000x32xf32, #tpu.memory_space<hbm>>) target(%dma_start3A_112 : memref<50x32xf32, #tpu.memory_space<vmem>>) offsets(%dma_start3A_115 : memref<50xi32, #tpu.memory_space<vmem>>) semaphore(%arg7 : memref<!tpu.dma_semaphore, #tpu.memory_space<semaphore_mem>>)
      %dma_start3A_119 = arith.constant 9 : i32
      %dma_start3A_120 = arith.constant 9 : i32
      %dma_start3A_121 = arith.constant 0 : i32
      %dma_start3A_122 = arith.constant 0 : i32
      %dma_start3A_123 = tpu.memref_slice %arg6[%dma_start3A_120, %dma_start3A_121, %dma_start3A_122] : memref<16x50x32xf32, #tpu.memory_space<vmem>> -> memref<1x50x32xf32, #tpu.memory_space<vmem>>
      %dma_start3A_124 = tpu.memref_squeeze %dma_start3A_123 : memref<1x50x32xf32, #tpu.memory_space<vmem>> -> memref<50x32xf32, #tpu.memory_space<vmem>>
      %dma_start3A_125 = arith.constant 0 : i32
      %dma_start3A_126 = tpu.memref_slice %arg5[%dma_start3A_119, %dma_start3A_125] : memref<16x50xi32, #tpu.memory_space<vmem>> -> memref<1x50xi32, #tpu.memory_space<vmem>>
      %dma_start3A_127 = tpu.memref_squeeze %dma_start3A_126 : memref<1x50xi32, #tpu.memory_space<vmem>> -> memref<50xi32, #tpu.memory_space<vmem>>
      %dma_start3A_128 = arith.constant 0 : i32
      %dma_start3A_129 = arith.constant 0 : i32
      %dma_start3A_130 = tpu.memref_slice %arg3[%dma_start3A_128, %dma_start3A_129] : memref<1000000x32xf32, #tpu.memory_space<hbm>> -> memref<1000000x32xf32, #tpu.memory_space<hbm>>
      tpu.enqueue_indirect_dma source(%dma_start3A_130 : memref<1000000x32xf32, #tpu.memory_space<hbm>>) target(%dma_start3A_124 : memref<50x32xf32, #tpu.memory_space<vmem>>) offsets(%dma_start3A_127 : memref<50xi32, #tpu.memory_space<vmem>>) semaphore(%arg7 : memref<!tpu.dma_semaphore, #tpu.memory_space<semaphore_mem>>)
      %dma_start3A_131 = arith.constant 10 : i32
      %dma_start3A_132 = arith.constant 10 : i32
      %dma_start3A_133 = arith.constant 0 : i32
      %dma_start3A_134 = arith.constant 0 : i32
      %dma_start3A_135 = tpu.memref_slice %arg6[%dma_start3A_132, %dma_start3A_133, %dma_start3A_134] : memref<16x50x32xf32, #tpu.memory_space<vmem>> -> memref<1x50x32xf32, #tpu.memory_space<vmem>>
      %dma_start3A_136 = tpu.memref_squeeze %dma_start3A_135 : memref<1x50x32xf32, #tpu.memory_space<vmem>> -> memref<50x32xf32, #tpu.memory_space<vmem>>
      %dma_start3A_137 = arith.constant 0 : i32
      %dma_start3A_138 = tpu.memref_slice %arg5[%dma_start3A_131, %dma_start3A_137] : memref<16x50xi32, #tpu.memory_space<vmem>> -> memref<1x50xi32, #tpu.memory_space<vmem>>
      %dma_start3A_139 = tpu.memref_squeeze %dma_start3A_138 : memref<1x50xi32, #tpu.memory_space<vmem>> -> memref<50xi32, #tpu.memory_space<vmem>>
      %dma_start3A_140 = arith.constant 0 : i32
      %dma_start3A_141 = arith.constant 0 : i32
      %dma_start3A_142 = tpu.memref_slice %arg3[%dma_start3A_140, %dma_start3A_141] : memref<1000000x32xf32, #tpu.memory_space<hbm>> -> memref<1000000x32xf32, #tpu.memory_space<hbm>>
      tpu.enqueue_indirect_dma source(%dma_start3A_142 : memref<1000000x32xf32, #tpu.memory_space<hbm>>) target(%dma_start3A_136 : memref<50x32xf32, #tpu.memory_space<vmem>>) offsets(%dma_start3A_139 : memref<50xi32, #tpu.memory_space<vmem>>) semaphore(%arg7 : memref<!tpu.dma_semaphore, #tpu.memory_space<semaphore_mem>>)
      %dma_start3A_143 = arith.constant 11 : i32
      %dma_start3A_144 = arith.constant 11 : i32
      %dma_start3A_145 = arith.constant 0 : i32
      %dma_start3A_146 = arith.constant 0 : i32
      %dma_start3A_147 = tpu.memref_slice %arg6[%dma_start3A_144, %dma_start3A_145, %dma_start3A_146] : memref<16x50x32xf32, #tpu.memory_space<vmem>> -> memref<1x50x32xf32, #tpu.memory_space<vmem>>
      %dma_start3A_148 = tpu.memref_squeeze %dma_start3A_147 : memref<1x50x32xf32, #tpu.memory_space<vmem>> -> memref<50x32xf32, #tpu.memory_space<vmem>>
      %dma_start3A_149 = arith.constant 0 : i32
      %dma_start3A_150 = tpu.memref_slice %arg5[%dma_start3A_143, %dma_start3A_149] : memref<16x50xi32, #tpu.memory_space<vmem>> -> memref<1x50xi32, #tpu.memory_space<vmem>>
      %dma_start3A_151 = tpu.memref_squeeze %dma_start3A_150 : memref<1x50xi32, #tpu.memory_space<vmem>> -> memref<50xi32, #tpu.memory_space<vmem>>
      %dma_start3A_152 = arith.constant 0 : i32
      %dma_start3A_153 = arith.constant 0 : i32
      %dma_start3A_154 = tpu.memref_slice %arg3[%dma_start3A_152, %dma_start3A_153] : memref<1000000x32xf32, #tpu.memory_space<hbm>> -> memref<1000000x32xf32, #tpu.memory_space<hbm>>
      tpu.enqueue_indirect_dma source(%dma_start3A_154 : memref<1000000x32xf32, #tpu.memory_space<hbm>>) target(%dma_start3A_148 : memref<50x32xf32, #tpu.memory_space<vmem>>) offsets(%dma_start3A_151 : memref<50xi32, #tpu.memory_space<vmem>>) semaphore(%arg7 : memref<!tpu.dma_semaphore, #tpu.memory_space<semaphore_mem>>)
      %dma_start3A_155 = arith.constant 12 : i32
      %dma_start3A_156 = arith.constant 12 : i32
      %dma_start3A_157 = arith.constant 0 : i32
      %dma_start3A_158 = arith.constant 0 : i32
      %dma_start3A_159 = tpu.memref_slice %arg6[%dma_start3A_156, %dma_start3A_157, %dma_start3A_158] : memref<16x50x32xf32, #tpu.memory_space<vmem>> -> memref<1x50x32xf32, #tpu.memory_space<vmem>>
      %dma_start3A_160 = tpu.memref_squeeze %dma_start3A_159 : memref<1x50x32xf32, #tpu.memory_space<vmem>> -> memref<50x32xf32, #tpu.memory_space<vmem>>
      %dma_start3A_161 = arith.constant 0 : i32
      %dma_start3A_162 = tpu.memref_slice %arg5[%dma_start3A_155, %dma_start3A_161] : memref<16x50xi32, #tpu.memory_space<vmem>> -> memref<1x50xi32, #tpu.memory_space<vmem>>
      %dma_start3A_163 = tpu.memref_squeeze %dma_start3A_162 : memref<1x50xi32, #tpu.memory_space<vmem>> -> memref<50xi32, #tpu.memory_space<vmem>>
      %dma_start3A_164 = arith.constant 0 : i32
      %dma_start3A_165 = arith.constant 0 : i32
      %dma_start3A_166 = tpu.memref_slice %arg3[%dma_start3A_164, %dma_start3A_165] : memref<1000000x32xf32, #tpu.memory_space<hbm>> -> memref<1000000x32xf32, #tpu.memory_space<hbm>>
      tpu.enqueue_indirect_dma source(%dma_start3A_166 : memref<1000000x32xf32, #tpu.memory_space<hbm>>) target(%dma_start3A_160 : memref<50x32xf32, #tpu.memory_space<vmem>>) offsets(%dma_start3A_163 : memref<50xi32, #tpu.memory_space<vmem>>) semaphore(%arg7 : memref<!tpu.dma_semaphore, #tpu.memory_space<semaphore_mem>>)
      %dma_start3A_167 = arith.constant 13 : i32
      %dma_start3A_168 = arith.constant 13 : i32
      %dma_start3A_169 = arith.constant 0 : i32
      %dma_start3A_170 = arith.constant 0 : i32
      %dma_start3A_171 = tpu.memref_slice %arg6[%dma_start3A_168, %dma_start3A_169, %dma_start3A_170] : memref<16x50x32xf32, #tpu.memory_space<vmem>> -> memref<1x50x32xf32, #tpu.memory_space<vmem>>
      %dma_start3A_172 = tpu.memref_squeeze %dma_start3A_171 : memref<1x50x32xf32, #tpu.memory_space<vmem>> -> memref<50x32xf32, #tpu.memory_space<vmem>>
      %dma_start3A_173 = arith.constant 0 : i32
      %dma_start3A_174 = tpu.memref_slice %arg5[%dma_start3A_167, %dma_start3A_173] : memref<16x50xi32, #tpu.memory_space<vmem>> -> memref<1x50xi32, #tpu.memory_space<vmem>>
      %dma_start3A_175 = tpu.memref_squeeze %dma_start3A_174 : memref<1x50xi32, #tpu.memory_space<vmem>> -> memref<50xi32, #tpu.memory_space<vmem>>
      %dma_start3A_176 = arith.constant 0 : i32
      %dma_start3A_177 = arith.constant 0 : i32
      %dma_start3A_178 = tpu.memref_slice %arg3[%dma_start3A_176, %dma_start3A_177] : memref<1000000x32xf32, #tpu.memory_space<hbm>> -> memref<1000000x32xf32, #tpu.memory_space<hbm>>
      tpu.enqueue_indirect_dma source(%dma_start3A_178 : memref<1000000x32xf32, #tpu.memory_space<hbm>>) target(%dma_start3A_172 : memref<50x32xf32, #tpu.memory_space<vmem>>) offsets(%dma_start3A_175 : memref<50xi32, #tpu.memory_space<vmem>>) semaphore(%arg7 : memref<!tpu.dma_semaphore, #tpu.memory_space<semaphore_mem>>)
      %dma_start3A_179 = arith.constant 14 : i32
      %dma_start3A_180 = arith.constant 14 : i32
      %dma_start3A_181 = arith.constant 0 : i32
      %dma_start3A_182 = arith.constant 0 : i32
      %dma_start3A_183 = tpu.memref_slice %arg6[%dma_start3A_180, %dma_start3A_181, %dma_start3A_182] : memref<16x50x32xf32, #tpu.memory_space<vmem>> -> memref<1x50x32xf32, #tpu.memory_space<vmem>>
      %dma_start3A_184 = tpu.memref_squeeze %dma_start3A_183 : memref<1x50x32xf32, #tpu.memory_space<vmem>> -> memref<50x32xf32, #tpu.memory_space<vmem>>
      %dma_start3A_185 = arith.constant 0 : i32
      %dma_start3A_186 = tpu.memref_slice %arg5[%dma_start3A_179, %dma_start3A_185] : memref<16x50xi32, #tpu.memory_space<vmem>> -> memref<1x50xi32, #tpu.memory_space<vmem>>
      %dma_start3A_187 = tpu.memref_squeeze %dma_start3A_186 : memref<1x50xi32, #tpu.memory_space<vmem>> -> memref<50xi32, #tpu.memory_space<vmem>>
      %dma_start3A_188 = arith.constant 0 : i32
      %dma_start3A_189 = arith.constant 0 : i32
      %dma_start3A_190 = tpu.memref_slice %arg3[%dma_start3A_188, %dma_start3A_189] : memref<1000000x32xf32, #tpu.memory_space<hbm>> -> memref<1000000x32xf32, #tpu.memory_space<hbm>>
      tpu.enqueue_indirect_dma source(%dma_start3A_190 : memref<1000000x32xf32, #tpu.memory_space<hbm>>) target(%dma_start3A_184 : memref<50x32xf32, #tpu.memory_space<vmem>>) offsets(%dma_start3A_187 : memref<50xi32, #tpu.memory_space<vmem>>) semaphore(%arg7 : memref<!tpu.dma_semaphore, #tpu.memory_space<semaphore_mem>>)
      %dma_start3A_191 = arith.constant 15 : i32
      %dma_start3A_192 = arith.constant 15 : i32
      %dma_start3A_193 = arith.constant 0 : i32
      %dma_start3A_194 = arith.constant 0 : i32
      %dma_start3A_195 = tpu.memref_slice %arg6[%dma_start3A_192, %dma_start3A_193, %dma_start3A_194] : memref<16x50x32xf32, #tpu.memory_space<vmem>> -> memref<1x50x32xf32, #tpu.memory_space<vmem>>
      %dma_start3A_196 = tpu.memref_squeeze %dma_start3A_195 : memref<1x50x32xf32, #tpu.memory_space<vmem>> -> memref<50x32xf32, #tpu.memory_space<vmem>>
      %dma_start3A_197 = arith.constant 0 : i32
      %dma_start3A_198 = tpu.memref_slice %arg5[%dma_start3A_191, %dma_start3A_197] : memref<16x50xi32, #tpu.memory_space<vmem>> -> memref<1x50xi32, #tpu.memory_space<vmem>>
      %dma_start3A_199 = tpu.memref_squeeze %dma_start3A_198 : memref<1x50xi32, #tpu.memory_space<vmem>> -> memref<50xi32, #tpu.memory_space<vmem>>
      %dma_start3A_200 = arith.constant 0 : i32
      %dma_start3A_201 = arith.constant 0 : i32
      %dma_start3A_202 = tpu.memref_slice %arg3[%dma_start3A_200, %dma_start3A_201] : memref<1000000x32xf32, #tpu.memory_space<hbm>> -> memref<1000000x32xf32, #tpu.memory_space<hbm>>
      tpu.enqueue_indirect_dma source(%dma_start3A_202 : memref<1000000x32xf32, #tpu.memory_space<hbm>>) target(%dma_start3A_196 : memref<50x32xf32, #tpu.memory_space<vmem>>) offsets(%dma_start3A_199 : memref<50xi32, #tpu.memory_space<vmem>>) semaphore(%arg7 : memref<!tpu.dma_semaphore, #tpu.memory_space<semaphore_mem>>)
      %dma_wait3A = arith.constant 0 : i32
      %dma_wait3A_203 = arith.constant 0 : i32
      %dma_wait3A_204 = arith.constant 0 : i32
      %dma_wait3A_205 = arith.constant 0 : i32
      %dma_wait3A_206 = tpu.memref_slice %arg6[%dma_wait3A_203, %dma_wait3A_204, %dma_wait3A_205] : memref<16x50x32xf32, #tpu.memory_space<vmem>> -> memref<1x50x32xf32, #tpu.memory_space<vmem>>
      %dma_wait3A_207 = tpu.memref_squeeze %dma_wait3A_206 : memref<1x50x32xf32, #tpu.memory_space<vmem>> -> memref<50x32xf32, #tpu.memory_space<vmem>>
      %dma_wait3A_208 = arith.constant 0 : i32
      %dma_wait3A_209 = tpu.memref_slice %arg5[%dma_wait3A, %dma_wait3A_208] : memref<16x50xi32, #tpu.memory_space<vmem>> -> memref<1x50xi32, #tpu.memory_space<vmem>>
      %dma_wait3A_210 = tpu.memref_squeeze %dma_wait3A_209 : memref<1x50xi32, #tpu.memory_space<vmem>> -> memref<50xi32, #tpu.memory_space<vmem>>
      %dma_wait3A_211 = arith.constant 0 : i32
      %dma_wait3A_212 = arith.constant 0 : i32
      %dma_wait3A_213 = tpu.memref_slice %arg3[%dma_wait3A_211, %dma_wait3A_212] : memref<1000000x32xf32, #tpu.memory_space<hbm>> -> memref<1000000x32xf32, #tpu.memory_space<hbm>>
      tpu.wait_indirect_dma semaphore(%arg7 : memref<!tpu.dma_semaphore, #tpu.memory_space<semaphore_mem>>) src(%dma_wait3A_213 : memref<1000000x32xf32, #tpu.memory_space<hbm>>) dst(%dma_wait3A_207 : memref<50x32xf32, #tpu.memory_space<vmem>>)
      %dma_wait3A_214 = arith.constant 1 : i32
      %dma_wait3A_215 = arith.constant 1 : i32
      %dma_wait3A_216 = arith.constant 0 : i32
      %dma_wait3A_217 = arith.constant 0 : i32
      %dma_wait3A_218 = tpu.memref_slice %arg6[%dma_wait3A_215, %dma_wait3A_216, %dma_wait3A_217] : memref<16x50x32xf32, #tpu.memory_space<vmem>> -> memref<1x50x32xf32, #tpu.memory_space<vmem>>
      %dma_wait3A_219 = tpu.memref_squeeze %dma_wait3A_218 : memref<1x50x32xf32, #tpu.memory_space<vmem>> -> memref<50x32xf32, #tpu.memory_space<vmem>>
      %dma_wait3A_220 = arith.constant 0 : i32
      %dma_wait3A_221 = tpu.memref_slice %arg5[%dma_wait3A_214, %dma_wait3A_220] : memref<16x50xi32, #tpu.memory_space<vmem>> -> memref<1x50xi32, #tpu.memory_space<vmem>>
      %dma_wait3A_222 = tpu.memref_squeeze %dma_wait3A_221 : memref<1x50xi32, #tpu.memory_space<vmem>> -> memref<50xi32, #tpu.memory_space<vmem>>
      %dma_wait3A_223 = arith.constant 0 : i32
      %dma_wait3A_224 = arith.constant 0 : i32
      %dma_wait3A_225 = tpu.memref_slice %arg3[%dma_wait3A_223, %dma_wait3A_224] : memref<1000000x32xf32, #tpu.memory_space<hbm>> -> memref<1000000x32xf32, #tpu.memory_space<hbm>>
      tpu.wait_indirect_dma semaphore(%arg7 : memref<!tpu.dma_semaphore, #tpu.memory_space<semaphore_mem>>) src(%dma_wait3A_225 : memref<1000000x32xf32, #tpu.memory_space<hbm>>) dst(%dma_wait3A_219 : memref<50x32xf32, #tpu.memory_space<vmem>>)
      %dma_wait3A_226 = arith.constant 2 : i32
      %dma_wait3A_227 = arith.constant 2 : i32
      %dma_wait3A_228 = arith.constant 0 : i32
      %dma_wait3A_229 = arith.constant 0 : i32
      %dma_wait3A_230 = tpu.memref_slice %arg6[%dma_wait3A_227, %dma_wait3A_228, %dma_wait3A_229] : memref<16x50x32xf32, #tpu.memory_space<vmem>> -> memref<1x50x32xf32, #tpu.memory_space<vmem>>
      %dma_wait3A_231 = tpu.memref_squeeze %dma_wait3A_230 : memref<1x50x32xf32, #tpu.memory_space<vmem>> -> memref<50x32xf32, #tpu.memory_space<vmem>>
      %dma_wait3A_232 = arith.constant 0 : i32
      %dma_wait3A_233 = tpu.memref_slice %arg5[%dma_wait3A_226, %dma_wait3A_232] : memref<16x50xi32, #tpu.memory_space<vmem>> -> memref<1x50xi32, #tpu.memory_space<vmem>>
      %dma_wait3A_234 = tpu.memref_squeeze %dma_wait3A_233 : memref<1x50xi32, #tpu.memory_space<vmem>> -> memref<50xi32, #tpu.memory_space<vmem>>
      %dma_wait3A_235 = arith.constant 0 : i32
      %dma_wait3A_236 = arith.constant 0 : i32
      %dma_wait3A_237 = tpu.memref_slice %arg3[%dma_wait3A_235, %dma_wait3A_236] : memref<1000000x32xf32, #tpu.memory_space<hbm>> -> memref<1000000x32xf32, #tpu.memory_space<hbm>>
      tpu.wait_indirect_dma semaphore(%arg7 : memref<!tpu.dma_semaphore, #tpu.memory_space<semaphore_mem>>) src(%dma_wait3A_237 : memref<1000000x32xf32, #tpu.memory_space<hbm>>) dst(%dma_wait3A_231 : memref<50x32xf32, #tpu.memory_space<vmem>>)
      %dma_wait3A_238 = arith.constant 3 : i32
      %dma_wait3A_239 = arith.constant 3 : i32
      %dma_wait3A_240 = arith.constant 0 : i32
      %dma_wait3A_241 = arith.constant 0 : i32
      %dma_wait3A_242 = tpu.memref_slice %arg6[%dma_wait3A_239, %dma_wait3A_240, %dma_wait3A_241] : memref<16x50x32xf32, #tpu.memory_space<vmem>> -> memref<1x50x32xf32, #tpu.memory_space<vmem>>
      %dma_wait3A_243 = tpu.memref_squeeze %dma_wait3A_242 : memref<1x50x32xf32, #tpu.memory_space<vmem>> -> memref<50x32xf32, #tpu.memory_space<vmem>>
      %dma_wait3A_244 = arith.constant 0 : i32
      %dma_wait3A_245 = tpu.memref_slice %arg5[%dma_wait3A_238, %dma_wait3A_244] : memref<16x50xi32, #tpu.memory_space<vmem>> -> memref<1x50xi32, #tpu.memory_space<vmem>>
      %dma_wait3A_246 = tpu.memref_squeeze %dma_wait3A_245 : memref<1x50xi32, #tpu.memory_space<vmem>> -> memref<50xi32, #tpu.memory_space<vmem>>
      %dma_wait3A_247 = arith.constant 0 : i32
      %dma_wait3A_248 = arith.constant 0 : i32
      %dma_wait3A_249 = tpu.memref_slice %arg3[%dma_wait3A_247, %dma_wait3A_248] : memref<1000000x32xf32, #tpu.memory_space<hbm>> -> memref<1000000x32xf32, #tpu.memory_space<hbm>>
      tpu.wait_indirect_dma semaphore(%arg7 : memref<!tpu.dma_semaphore, #tpu.memory_space<semaphore_mem>>) src(%dma_wait3A_249 : memref<1000000x32xf32, #tpu.memory_space<hbm>>) dst(%dma_wait3A_243 : memref<50x32xf32, #tpu.memory_space<vmem>>)
      %dma_wait3A_250 = arith.constant 4 : i32
      %dma_wait3A_251 = arith.constant 4 : i32
      %dma_wait3A_252 = arith.constant 0 : i32
      %dma_wait3A_253 = arith.constant 0 : i32
      %dma_wait3A_254 = tpu.memref_slice %arg6[%dma_wait3A_251, %dma_wait3A_252, %dma_wait3A_253] : memref<16x50x32xf32, #tpu.memory_space<vmem>> -> memref<1x50x32xf32, #tpu.memory_space<vmem>>
      %dma_wait3A_255 = tpu.memref_squeeze %dma_wait3A_254 : memref<1x50x32xf32, #tpu.memory_space<vmem>> -> memref<50x32xf32, #tpu.memory_space<vmem>>
      %dma_wait3A_256 = arith.constant 0 : i32
      %dma_wait3A_257 = tpu.memref_slice %arg5[%dma_wait3A_250, %dma_wait3A_256] : memref<16x50xi32, #tpu.memory_space<vmem>> -> memref<1x50xi32, #tpu.memory_space<vmem>>
      %dma_wait3A_258 = tpu.memref_squeeze %dma_wait3A_257 : memref<1x50xi32, #tpu.memory_space<vmem>> -> memref<50xi32, #tpu.memory_space<vmem>>
      %dma_wait3A_259 = arith.constant 0 : i32
      %dma_wait3A_260 = arith.constant 0 : i32
      %dma_wait3A_261 = tpu.memref_slice %arg3[%dma_wait3A_259, %dma_wait3A_260] : memref<1000000x32xf32, #tpu.memory_space<hbm>> -> memref<1000000x32xf32, #tpu.memory_space<hbm>>
      tpu.wait_indirect_dma semaphore(%arg7 : memref<!tpu.dma_semaphore, #tpu.memory_space<semaphore_mem>>) src(%dma_wait3A_261 : memref<1000000x32xf32, #tpu.memory_space<hbm>>) dst(%dma_wait3A_255 : memref<50x32xf32, #tpu.memory_space<vmem>>)
      %dma_wait3A_262 = arith.constant 5 : i32
      %dma_wait3A_263 = arith.constant 5 : i32
      %dma_wait3A_264 = arith.constant 0 : i32
      %dma_wait3A_265 = arith.constant 0 : i32
      %dma_wait3A_266 = tpu.memref_slice %arg6[%dma_wait3A_263, %dma_wait3A_264, %dma_wait3A_265] : memref<16x50x32xf32, #tpu.memory_space<vmem>> -> memref<1x50x32xf32, #tpu.memory_space<vmem>>
      %dma_wait3A_267 = tpu.memref_squeeze %dma_wait3A_266 : memref<1x50x32xf32, #tpu.memory_space<vmem>> -> memref<50x32xf32, #tpu.memory_space<vmem>>
      %dma_wait3A_268 = arith.constant 0 : i32
      %dma_wait3A_269 = tpu.memref_slice %arg5[%dma_wait3A_262, %dma_wait3A_268] : memref<16x50xi32, #tpu.memory_space<vmem>> -> memref<1x50xi32, #tpu.memory_space<vmem>>
      %dma_wait3A_270 = tpu.memref_squeeze %dma_wait3A_269 : memref<1x50xi32, #tpu.memory_space<vmem>> -> memref<50xi32, #tpu.memory_space<vmem>>
      %dma_wait3A_271 = arith.constant 0 : i32
      %dma_wait3A_272 = arith.constant 0 : i32
      %dma_wait3A_273 = tpu.memref_slice %arg3[%dma_wait3A_271, %dma_wait3A_272] : memref<1000000x32xf32, #tpu.memory_space<hbm>> -> memref<1000000x32xf32, #tpu.memory_space<hbm>>
      tpu.wait_indirect_dma semaphore(%arg7 : memref<!tpu.dma_semaphore, #tpu.memory_space<semaphore_mem>>) src(%dma_wait3A_273 : memref<1000000x32xf32, #tpu.memory_space<hbm>>) dst(%dma_wait3A_267 : memref<50x32xf32, #tpu.memory_space<vmem>>)
      %dma_wait3A_274 = arith.constant 6 : i32
      %dma_wait3A_275 = arith.constant 6 : i32
      %dma_wait3A_276 = arith.constant 0 : i32
      %dma_wait3A_277 = arith.constant 0 : i32
      %dma_wait3A_278 = tpu.memref_slice %arg6[%dma_wait3A_275, %dma_wait3A_276, %dma_wait3A_277] : memref<16x50x32xf32, #tpu.memory_space<vmem>> -> memref<1x50x32xf32, #tpu.memory_space<vmem>>
      %dma_wait3A_279 = tpu.memref_squeeze %dma_wait3A_278 : memref<1x50x32xf32, #tpu.memory_space<vmem>> -> memref<50x32xf32, #tpu.memory_space<vmem>>
      %dma_wait3A_280 = arith.constant 0 : i32
      %dma_wait3A_281 = tpu.memref_slice %arg5[%dma_wait3A_274, %dma_wait3A_280] : memref<16x50xi32, #tpu.memory_space<vmem>> -> memref<1x50xi32, #tpu.memory_space<vmem>>
      %dma_wait3A_282 = tpu.memref_squeeze %dma_wait3A_281 : memref<1x50xi32, #tpu.memory_space<vmem>> -> memref<50xi32, #tpu.memory_space<vmem>>
      %dma_wait3A_283 = arith.constant 0 : i32
      %dma_wait3A_284 = arith.constant 0 : i32
      %dma_wait3A_285 = tpu.memref_slice %arg3[%dma_wait3A_283, %dma_wait3A_284] : memref<1000000x32xf32, #tpu.memory_space<hbm>> -> memref<1000000x32xf32, #tpu.memory_space<hbm>>
      tpu.wait_indirect_dma semaphore(%arg7 : memref<!tpu.dma_semaphore, #tpu.memory_space<semaphore_mem>>) src(%dma_wait3A_285 : memref<1000000x32xf32, #tpu.memory_space<hbm>>) dst(%dma_wait3A_279 : memref<50x32xf32, #tpu.memory_space<vmem>>)
      %dma_wait3A_286 = arith.constant 7 : i32
      %dma_wait3A_287 = arith.constant 7 : i32
      %dma_wait3A_288 = arith.constant 0 : i32
      %dma_wait3A_289 = arith.constant 0 : i32
      %dma_wait3A_290 = tpu.memref_slice %arg6[%dma_wait3A_287, %dma_wait3A_288, %dma_wait3A_289] : memref<16x50x32xf32, #tpu.memory_space<vmem>> -> memref<1x50x32xf32, #tpu.memory_space<vmem>>
      %dma_wait3A_291 = tpu.memref_squeeze %dma_wait3A_290 : memref<1x50x32xf32, #tpu.memory_space<vmem>> -> memref<50x32xf32, #tpu.memory_space<vmem>>
      %dma_wait3A_292 = arith.constant 0 : i32
      %dma_wait3A_293 = tpu.memref_slice %arg5[%dma_wait3A_286, %dma_wait3A_292] : memref<16x50xi32, #tpu.memory_space<vmem>> -> memref<1x50xi32, #tpu.memory_space<vmem>>
      %dma_wait3A_294 = tpu.memref_squeeze %dma_wait3A_293 : memref<1x50xi32, #tpu.memory_space<vmem>> -> memref<50xi32, #tpu.memory_space<vmem>>
      %dma_wait3A_295 = arith.constant 0 : i32
      %dma_wait3A_296 = arith.constant 0 : i32
      %dma_wait3A_297 = tpu.memref_slice %arg3[%dma_wait3A_295, %dma_wait3A_296] : memref<1000000x32xf32, #tpu.memory_space<hbm>> -> memref<1000000x32xf32, #tpu.memory_space<hbm>>
      tpu.wait_indirect_dma semaphore(%arg7 : memref<!tpu.dma_semaphore, #tpu.memory_space<semaphore_mem>>) src(%dma_wait3A_297 : memref<1000000x32xf32, #tpu.memory_space<hbm>>) dst(%dma_wait3A_291 : memref<50x32xf32, #tpu.memory_space<vmem>>)
      %dma_wait3A_298 = arith.constant 8 : i32
      %dma_wait3A_299 = arith.constant 8 : i32
      %dma_wait3A_300 = arith.constant 0 : i32
      %dma_wait3A_301 = arith.constant 0 : i32
      %dma_wait3A_302 = tpu.memref_slice %arg6[%dma_wait3A_299, %dma_wait3A_300, %dma_wait3A_301] : memref<16x50x32xf32, #tpu.memory_space<vmem>> -> memref<1x50x32xf32, #tpu.memory_space<vmem>>
      %dma_wait3A_303 = tpu.memref_squeeze %dma_wait3A_302 : memref<1x50x32xf32, #tpu.memory_space<vmem>> -> memref<50x32xf32, #tpu.memory_space<vmem>>
      %dma_wait3A_304 = arith.constant 0 : i32
      %dma_wait3A_305 = tpu.memref_slice %arg5[%dma_wait3A_298, %dma_wait3A_304] : memref<16x50xi32, #tpu.memory_space<vmem>> -> memref<1x50xi32, #tpu.memory_space<vmem>>
      %dma_wait3A_306 = tpu.memref_squeeze %dma_wait3A_305 : memref<1x50xi32, #tpu.memory_space<vmem>> -> memref<50xi32, #tpu.memory_space<vmem>>
      %dma_wait3A_307 = arith.constant 0 : i32
      %dma_wait3A_308 = arith.constant 0 : i32
      %dma_wait3A_309 = tpu.memref_slice %arg3[%dma_wait3A_307, %dma_wait3A_308] : memref<1000000x32xf32, #tpu.memory_space<hbm>> -> memref<1000000x32xf32, #tpu.memory_space<hbm>>
      tpu.wait_indirect_dma semaphore(%arg7 : memref<!tpu.dma_semaphore, #tpu.memory_space<semaphore_mem>>) src(%dma_wait3A_309 : memref<1000000x32xf32, #tpu.memory_space<hbm>>) dst(%dma_wait3A_303 : memref<50x32xf32, #tpu.memory_space<vmem>>)
      %dma_wait3A_310 = arith.constant 9 : i32
      %dma_wait3A_311 = arith.constant 9 : i32
      %dma_wait3A_312 = arith.constant 0 : i32
      %dma_wait3A_313 = arith.constant 0 : i32
      %dma_wait3A_314 = tpu.memref_slice %arg6[%dma_wait3A_311, %dma_wait3A_312, %dma_wait3A_313] : memref<16x50x32xf32, #tpu.memory_space<vmem>> -> memref<1x50x32xf32, #tpu.memory_space<vmem>>
      %dma_wait3A_315 = tpu.memref_squeeze %dma_wait3A_314 : memref<1x50x32xf32, #tpu.memory_space<vmem>> -> memref<50x32xf32, #tpu.memory_space<vmem>>
      %dma_wait3A_316 = arith.constant 0 : i32
      %dma_wait3A_317 = tpu.memref_slice %arg5[%dma_wait3A_310, %dma_wait3A_316] : memref<16x50xi32, #tpu.memory_space<vmem>> -> memref<1x50xi32, #tpu.memory_space<vmem>>
      %dma_wait3A_318 = tpu.memref_squeeze %dma_wait3A_317 : memref<1x50xi32, #tpu.memory_space<vmem>> -> memref<50xi32, #tpu.memory_space<vmem>>
      %dma_wait3A_319 = arith.constant 0 : i32
      %dma_wait3A_320 = arith.constant 0 : i32
      %dma_wait3A_321 = tpu.memref_slice %arg3[%dma_wait3A_319, %dma_wait3A_320] : memref<1000000x32xf32, #tpu.memory_space<hbm>> -> memref<1000000x32xf32, #tpu.memory_space<hbm>>
      tpu.wait_indirect_dma semaphore(%arg7 : memref<!tpu.dma_semaphore, #tpu.memory_space<semaphore_mem>>) src(%dma_wait3A_321 : memref<1000000x32xf32, #tpu.memory_space<hbm>>) dst(%dma_wait3A_315 : memref<50x32xf32, #tpu.memory_space<vmem>>)
      %dma_wait3A_322 = arith.constant 10 : i32
      %dma_wait3A_323 = arith.constant 10 : i32
      %dma_wait3A_324 = arith.constant 0 : i32
      %dma_wait3A_325 = arith.constant 0 : i32
      %dma_wait3A_326 = tpu.memref_slice %arg6[%dma_wait3A_323, %dma_wait3A_324, %dma_wait3A_325] : memref<16x50x32xf32, #tpu.memory_space<vmem>> -> memref<1x50x32xf32, #tpu.memory_space<vmem>>
      %dma_wait3A_327 = tpu.memref_squeeze %dma_wait3A_326 : memref<1x50x32xf32, #tpu.memory_space<vmem>> -> memref<50x32xf32, #tpu.memory_space<vmem>>
      %dma_wait3A_328 = arith.constant 0 : i32
      %dma_wait3A_329 = tpu.memref_slice %arg5[%dma_wait3A_322, %dma_wait3A_328] : memref<16x50xi32, #tpu.memory_space<vmem>> -> memref<1x50xi32, #tpu.memory_space<vmem>>
      %dma_wait3A_330 = tpu.memref_squeeze %dma_wait3A_329 : memref<1x50xi32, #tpu.memory_space<vmem>> -> memref<50xi32, #tpu.memory_space<vmem>>
      %dma_wait3A_331 = arith.constant 0 : i32
      %dma_wait3A_332 = arith.constant 0 : i32
      %dma_wait3A_333 = tpu.memref_slice %arg3[%dma_wait3A_331, %dma_wait3A_332] : memref<1000000x32xf32, #tpu.memory_space<hbm>> -> memref<1000000x32xf32, #tpu.memory_space<hbm>>
      tpu.wait_indirect_dma semaphore(%arg7 : memref<!tpu.dma_semaphore, #tpu.memory_space<semaphore_mem>>) src(%dma_wait3A_333 : memref<1000000x32xf32, #tpu.memory_space<hbm>>) dst(%dma_wait3A_327 : memref<50x32xf32, #tpu.memory_space<vmem>>)
      %dma_wait3A_334 = arith.constant 11 : i32
      %dma_wait3A_335 = arith.constant 11 : i32
      %dma_wait3A_336 = arith.constant 0 : i32
      %dma_wait3A_337 = arith.constant 0 : i32
      %dma_wait3A_338 = tpu.memref_slice %arg6[%dma_wait3A_335, %dma_wait3A_336, %dma_wait3A_337] : memref<16x50x32xf32, #tpu.memory_space<vmem>> -> memref<1x50x32xf32, #tpu.memory_space<vmem>>
      %dma_wait3A_339 = tpu.memref_squeeze %dma_wait3A_338 : memref<1x50x32xf32, #tpu.memory_space<vmem>> -> memref<50x32xf32, #tpu.memory_space<vmem>>
      %dma_wait3A_340 = arith.constant 0 : i32
      %dma_wait3A_341 = tpu.memref_slice %arg5[%dma_wait3A_334, %dma_wait3A_340] : memref<16x50xi32, #tpu.memory_space<vmem>> -> memref<1x50xi32, #tpu.memory_space<vmem>>
      %dma_wait3A_342 = tpu.memref_squeeze %dma_wait3A_341 : memref<1x50xi32, #tpu.memory_space<vmem>> -> memref<50xi32, #tpu.memory_space<vmem>>
      %dma_wait3A_343 = arith.constant 0 : i32
      %dma_wait3A_344 = arith.constant 0 : i32
      %dma_wait3A_345 = tpu.memref_slice %arg3[%dma_wait3A_343, %dma_wait3A_344] : memref<1000000x32xf32, #tpu.memory_space<hbm>> -> memref<1000000x32xf32, #tpu.memory_space<hbm>>
      tpu.wait_indirect_dma semaphore(%arg7 : memref<!tpu.dma_semaphore, #tpu.memory_space<semaphore_mem>>) src(%dma_wait3A_345 : memref<1000000x32xf32, #tpu.memory_space<hbm>>) dst(%dma_wait3A_339 : memref<50x32xf32, #tpu.memory_space<vmem>>)
      %dma_wait3A_346 = arith.constant 12 : i32
      %dma_wait3A_347 = arith.constant 12 : i32
      %dma_wait3A_348 = arith.constant 0 : i32
      %dma_wait3A_349 = arith.constant 0 : i32
      %dma_wait3A_350 = tpu.memref_slice %arg6[%dma_wait3A_347, %dma_wait3A_348, %dma_wait3A_349] : memref<16x50x32xf32, #tpu.memory_space<vmem>> -> memref<1x50x32xf32, #tpu.memory_space<vmem>>
      %dma_wait3A_351 = tpu.memref_squeeze %dma_wait3A_350 : memref<1x50x32xf32, #tpu.memory_space<vmem>> -> memref<50x32xf32, #tpu.memory_space<vmem>>
      %dma_wait3A_352 = arith.constant 0 : i32
      %dma_wait3A_353 = tpu.memref_slice %arg5[%dma_wait3A_346, %dma_wait3A_352] : memref<16x50xi32, #tpu.memory_space<vmem>> -> memref<1x50xi32, #tpu.memory_space<vmem>>
      %dma_wait3A_354 = tpu.memref_squeeze %dma_wait3A_353 : memref<1x50xi32, #tpu.memory_space<vmem>> -> memref<50xi32, #tpu.memory_space<vmem>>
      %dma_wait3A_355 = arith.constant 0 : i32
      %dma_wait3A_356 = arith.constant 0 : i32
      %dma_wait3A_357 = tpu.memref_slice %arg3[%dma_wait3A_355, %dma_wait3A_356] : memref<1000000x32xf32, #tpu.memory_space<hbm>> -> memref<1000000x32xf32, #tpu.memory_space<hbm>>
      tpu.wait_indirect_dma semaphore(%arg7 : memref<!tpu.dma_semaphore, #tpu.memory_space<semaphore_mem>>) src(%dma_wait3A_357 : memref<1000000x32xf32, #tpu.memory_space<hbm>>) dst(%dma_wait3A_351 : memref<50x32xf32, #tpu.memory_space<vmem>>)
      %dma_wait3A_358 = arith.constant 13 : i32
      %dma_wait3A_359 = arith.constant 13 : i32
      %dma_wait3A_360 = arith.constant 0 : i32
      %dma_wait3A_361 = arith.constant 0 : i32
      %dma_wait3A_362 = tpu.memref_slice %arg6[%dma_wait3A_359, %dma_wait3A_360, %dma_wait3A_361] : memref<16x50x32xf32, #tpu.memory_space<vmem>> -> memref<1x50x32xf32, #tpu.memory_space<vmem>>
      %dma_wait3A_363 = tpu.memref_squeeze %dma_wait3A_362 : memref<1x50x32xf32, #tpu.memory_space<vmem>> -> memref<50x32xf32, #tpu.memory_space<vmem>>
      %dma_wait3A_364 = arith.constant 0 : i32
      %dma_wait3A_365 = tpu.memref_slice %arg5[%dma_wait3A_358, %dma_wait3A_364] : memref<16x50xi32, #tpu.memory_space<vmem>> -> memref<1x50xi32, #tpu.memory_space<vmem>>
      %dma_wait3A_366 = tpu.memref_squeeze %dma_wait3A_365 : memref<1x50xi32, #tpu.memory_space<vmem>> -> memref<50xi32, #tpu.memory_space<vmem>>
      %dma_wait3A_367 = arith.constant 0 : i32
      %dma_wait3A_368 = arith.constant 0 : i32
      %dma_wait3A_369 = tpu.memref_slice %arg3[%dma_wait3A_367, %dma_wait3A_368] : memref<1000000x32xf32, #tpu.memory_space<hbm>> -> memref<1000000x32xf32, #tpu.memory_space<hbm>>
      tpu.wait_indirect_dma semaphore(%arg7 : memref<!tpu.dma_semaphore, #tpu.memory_space<semaphore_mem>>) src(%dma_wait3A_369 : memref<1000000x32xf32, #tpu.memory_space<hbm>>) dst(%dma_wait3A_363 : memref<50x32xf32, #tpu.memory_space<vmem>>)
      %dma_wait3A_370 = arith.constant 14 : i32
      %dma_wait3A_371 = arith.constant 14 : i32
      %dma_wait3A_372 = arith.constant 0 : i32
      %dma_wait3A_373 = arith.constant 0 : i32
      %dma_wait3A_374 = tpu.memref_slice %arg6[%dma_wait3A_371, %dma_wait3A_372, %dma_wait3A_373] : memref<16x50x32xf32, #tpu.memory_space<vmem>> -> memref<1x50x32xf32, #tpu.memory_space<vmem>>
      %dma_wait3A_375 = tpu.memref_squeeze %dma_wait3A_374 : memref<1x50x32xf32, #tpu.memory_space<vmem>> -> memref<50x32xf32, #tpu.memory_space<vmem>>
      %dma_wait3A_376 = arith.constant 0 : i32
      %dma_wait3A_377 = tpu.memref_slice %arg5[%dma_wait3A_370, %dma_wait3A_376] : memref<16x50xi32, #tpu.memory_space<vmem>> -> memref<1x50xi32, #tpu.memory_space<vmem>>
      %dma_wait3A_378 = tpu.memref_squeeze %dma_wait3A_377 : memref<1x50xi32, #tpu.memory_space<vmem>> -> memref<50xi32, #tpu.memory_space<vmem>>
      %dma_wait3A_379 = arith.constant 0 : i32
      %dma_wait3A_380 = arith.constant 0 : i32
      %dma_wait3A_381 = tpu.memref_slice %arg3[%dma_wait3A_379, %dma_wait3A_380] : memref<1000000x32xf32, #tpu.memory_space<hbm>> -> memref<1000000x32xf32, #tpu.memory_space<hbm>>
      tpu.wait_indirect_dma semaphore(%arg7 : memref<!tpu.dma_semaphore, #tpu.memory_space<semaphore_mem>>) src(%dma_wait3A_381 : memref<1000000x32xf32, #tpu.memory_space<hbm>>) dst(%dma_wait3A_375 : memref<50x32xf32, #tpu.memory_space<vmem>>)
      %dma_wait3A_382 = arith.constant 15 : i32
      %dma_wait3A_383 = arith.constant 15 : i32
      %dma_wait3A_384 = arith.constant 0 : i32
      %dma_wait3A_385 = arith.constant 0 : i32
      %dma_wait3A_386 = tpu.memref_slice %arg6[%dma_wait3A_383, %dma_wait3A_384, %dma_wait3A_385] : memref<16x50x32xf32, #tpu.memory_space<vmem>> -> memref<1x50x32xf32, #tpu.memory_space<vmem>>
      %dma_wait3A_387 = tpu.memref_squeeze %dma_wait3A_386 : memref<1x50x32xf32, #tpu.memory_space<vmem>> -> memref<50x32xf32, #tpu.memory_space<vmem>>
      %dma_wait3A_388 = arith.constant 0 : i32
      %dma_wait3A_389 = tpu.memref_slice %arg5[%dma_wait3A_382, %dma_wait3A_388] : memref<16x50xi32, #tpu.memory_space<vmem>> -> memref<1x50xi32, #tpu.memory_space<vmem>>
      %dma_wait3A_390 = tpu.memref_squeeze %dma_wait3A_389 : memref<1x50xi32, #tpu.memory_space<vmem>> -> memref<50xi32, #tpu.memory_space<vmem>>
      %dma_wait3A_391 = arith.constant 0 : i32
      %dma_wait3A_392 = arith.constant 0 : i32
      %dma_wait3A_393 = tpu.memref_slice %arg3[%dma_wait3A_391, %dma_wait3A_392] : memref<1000000x32xf32, #tpu.memory_space<hbm>> -> memref<1000000x32xf32, #tpu.memory_space<hbm>>
      tpu.wait_indirect_dma semaphore(%arg7 : memref<!tpu.dma_semaphore, #tpu.memory_space<semaphore_mem>>) src(%dma_wait3A_393 : memref<1000000x32xf32, #tpu.memory_space<hbm>>) dst(%dma_wait3A_387 : memref<50x32xf32, #tpu.memory_space<vmem>>)
      %scan3A_394 = arith.constant 0 : i32
      %scan3A_395 = arith.constant 0 : i32
      %scan3A_396 = arith.constant 50 : i32
      %scan3A_397 = arith.addi %scan3A_395, %scan3A_396 : i32
      %scan3A_398 = arith.constant 1 : i32
      scf.for %scan3A_400 = %scan3A_395 to %scan3A_397 step %scan3A_398  : i32 {
        %get3A = arith.constant 0 : i32
        %get3A_401 = arith.index_cast %get3A : i32 to index
        %get3A_402 = arith.index_cast %scan3A_400 : i32 to index
        %get3A_403 = arith.constant 0 : index
        %get3A_404 = tpu.vector_load %arg6[%get3A_401, %get3A_402, %get3A_403] {strides = array<i32>} : memref<16x50x32xf32, #tpu.memory_space<vmem>>, vector<1x1x16xf32>,
        %get3A_405 = vector.shape_cast %get3A_404 : vector<1x1x16xf32> to vector<16xf32>
        %mul3A_406 = arith.constant 5.65685415 : f32
        %mul3A_407 = vector.broadcast %mul3A_406 : f32 to vector<16xf32>
        %mul3A_408 = arith.mulf %get3A_405, %mul3A_407 : vector<16xf32>
        %swap3A = arith.constant 0 : i32
        %swap3A_409 = arith.index_cast %swap3A : i32 to index
        %swap3A_410 = arith.index_cast %scan3A_400 : i32 to index
        %swap3A_411 = arith.constant 0 : index
        %swap3A_412 = tpu.vector_load %arg6[%swap3A_409, %swap3A_410, %swap3A_411] {strides = array<i32>} : memref<16x50x32xf32, #tpu.memory_space<vmem>>, vector<1x1x16xf32>,
        %swap3A_413 = vector.shape_cast %swap3A_412 : vector<1x1x16xf32> to vector<16xf32>
        %swap3A_414 = vector.shape_cast %mul3A_408 : vector<16xf32> to vector<1x1x16xf32>
        tpu.vector_store %arg6[%swap3A_409, %swap3A_410, %swap3A_411], %swap3A_414 {strides = array<i32>} : memref<16x50x32xf32, #tpu.memory_space<vmem>>, vector<1x1x16xf32>,
        %get3A_415 = arith.constant 0 : i32
        %get3A_416 = arith.index_cast %get3A_415 : i32 to index
        %get3A_417 = arith.index_cast %scan3A_400 : i32 to index
        %get3A_418 = arith.constant 16 : index
        %get3A_419 = tpu.vector_load %arg6[%get3A_416, %get3A_417, %get3A_418] {strides = array<i32>} : memref<16x50x32xf32, #tpu.memory_space<vmem>>, vector<1x1x16xf32>,
        %get3A_420 = vector.shape_cast %get3A_419 : vector<1x1x16xf32> to vector<16xf32>
        %mul3A_421 = arith.constant 5.65685415 : f32
        %mul3A_422 = vector.broadcast %mul3A_421 : f32 to vector<16xf32>
        %mul3A_423 = arith.mulf %get3A_420, %mul3A_422 : vector<16xf32>
        %swap3A_424 = arith.constant 0 : i32
        %swap3A_425 = arith.index_cast %swap3A_424 : i32 to index
        %swap3A_426 = arith.index_cast %scan3A_400 : i32 to index
        %swap3A_427 = arith.constant 16 : index
        %swap3A_428 = tpu.vector_load %arg6[%swap3A_425, %swap3A_426, %swap3A_427] {strides = array<i32>} : memref<16x50x32xf32, #tpu.memory_space<vmem>>, vector<1x1x16xf32>,
        %swap3A_429 = vector.shape_cast %swap3A_428 : vector<1x1x16xf32> to vector<16xf32>
        %swap3A_430 = vector.shape_cast %mul3A_423 : vector<16xf32> to vector<1x1x16xf32>
        tpu.vector_store %arg6[%swap3A_425, %swap3A_426, %swap3A_427], %swap3A_430 {strides = array<i32>} : memref<16x50x32xf32, #tpu.memory_space<vmem>>, vector<1x1x16xf32>,
        %get3A_431 = arith.constant 1 : i32
        %get3A_432 = arith.index_cast %get3A_431 : i32 to index
        %get3A_433 = arith.index_cast %scan3A_400 : i32 to index
        %get3A_434 = arith.constant 0 : index
        %get3A_435 = tpu.vector_load %arg6[%get3A_432, %get3A_433, %get3A_434] {strides = array<i32>} : memref<16x50x32xf32, #tpu.memory_space<vmem>>, vector<1x1x16xf32>,
        %get3A_436 = vector.shape_cast %get3A_435 : vector<1x1x16xf32> to vector<16xf32>
        %mul3A_437 = arith.constant 5.65685415 : f32
        %mul3A_438 = vector.broadcast %mul3A_437 : f32 to vector<16xf32>
        %mul3A_439 = arith.mulf %get3A_436, %mul3A_438 : vector<16xf32>
        %swap3A_440 = arith.constant 1 : i32
        %swap3A_441 = arith.index_cast %swap3A_440 : i32 to index
        %swap3A_442 = arith.index_cast %scan3A_400 : i32 to index
        %swap3A_443 = arith.constant 0 : index
        %swap3A_444 = tpu.vector_load %arg6[%swap3A_441, %swap3A_442, %swap3A_443] {strides = array<i32>} : memref<16x50x32xf32, #tpu.memory_space<vmem>>, vector<1x1x16xf32>,
        %swap3A_445 = vector.shape_cast %swap3A_444 : vector<1x1x16xf32> to vector<16xf32>
        %swap3A_446 = vector.shape_cast %mul3A_439 : vector<16xf32> to vector<1x1x16xf32>
        tpu.vector_store %arg6[%swap3A_441, %swap3A_442, %swap3A_443], %swap3A_446 {strides = array<i32>} : memref<16x50x32xf32, #tpu.memory_space<vmem>>, vector<1x1x16xf32>,
        %get3A_447 = arith.constant 1 : i32
        %get3A_448 = arith.index_cast %get3A_447 : i32 to index
        %get3A_449 = arith.index_cast %scan3A_400 : i32 to index
        %get3A_450 = arith.constant 16 : index
        %get3A_451 = tpu.vector_load %arg6[%get3A_448, %get3A_449, %get3A_450] {strides = array<i32>} : memref<16x50x32xf32, #tpu.memory_space<vmem>>, vector<1x1x16xf32>,
        %get3A_452 = vector.shape_cast %get3A_451 : vector<1x1x16xf32> to vector<16xf32>
        %mul3A_453 = arith.constant 5.65685415 : f32
        %mul3A_454 = vector.broadcast %mul3A_453 : f32 to vector<16xf32>
        %mul3A_455 = arith.mulf %get3A_452, %mul3A_454 : vector<16xf32>
        %swap3A_456 = arith.constant 1 : i32
        %swap3A_457 = arith.index_cast %swap3A_456 : i32 to index
        %swap3A_458 = arith.index_cast %scan3A_400 : i32 to index
        %swap3A_459 = arith.constant 16 : index
        %swap3A_460 = tpu.vector_load %arg6[%swap3A_457, %swap3A_458, %swap3A_459] {strides = array<i32>} : memref<16x50x32xf32, #tpu.memory_space<vmem>>, vector<1x1x16xf32>,
        %swap3A_461 = vector.shape_cast %swap3A_460 : vector<1x1x16xf32> to vector<16xf32>
        %swap3A_462 = vector.shape_cast %mul3A_455 : vector<16xf32> to vector<1x1x16xf32>
        tpu.vector_store %arg6[%swap3A_457, %swap3A_458, %swap3A_459], %swap3A_462 {strides = array<i32>} : memref<16x50x32xf32, #tpu.memory_space<vmem>>, vector<1x1x16xf32>,
        %get3A_463 = arith.constant 2 : i32
        %get3A_464 = arith.index_cast %get3A_463 : i32 to index
        %get3A_465 = arith.index_cast %scan3A_400 : i32 to index
        %get3A_466 = arith.constant 0 : index
        %get3A_467 = tpu.vector_load %arg6[%get3A_464, %get3A_465, %get3A_466] {strides = array<i32>} : memref<16x50x32xf32, #tpu.memory_space<vmem>>, vector<1x1x16xf32>,
        %get3A_468 = vector.shape_cast %get3A_467 : vector<1x1x16xf32> to vector<16xf32>
        %mul3A_469 = arith.constant 5.65685415 : f32
        %mul3A_470 = vector.broadcast %mul3A_469 : f32 to vector<16xf32>
        %mul3A_471 = arith.mulf %get3A_468, %mul3A_470 : vector<16xf32>
        %swap3A_472 = arith.constant 2 : i32
        %swap3A_473 = arith.index_cast %swap3A_472 : i32 to index
        %swap3A_474 = arith.index_cast %scan3A_400 : i32 to index
        %swap3A_475 = arith.constant 0 : index
        %swap3A_476 = tpu.vector_load %arg6[%swap3A_473, %swap3A_474, %swap3A_475] {strides = array<i32>} : memref<16x50x32xf32, #tpu.memory_space<vmem>>, vector<1x1x16xf32>,
        %swap3A_477 = vector.shape_cast %swap3A_476 : vector<1x1x16xf32> to vector<16xf32>
        %swap3A_478 = vector.shape_cast %mul3A_471 : vector<16xf32> to vector<1x1x16xf32>
        tpu.vector_store %arg6[%swap3A_473, %swap3A_474, %swap3A_475], %swap3A_478 {strides = array<i32>} : memref<16x50x32xf32, #tpu.memory_space<vmem>>, vector<1x1x16xf32>,
        %get3A_479 = arith.constant 2 : i32
        %get3A_480 = arith.index_cast %get3A_479 : i32 to index
        %get3A_481 = arith.index_cast %scan3A_400 : i32 to index
        %get3A_482 = arith.constant 16 : index
        %get3A_483 = tpu.vector_load %arg6[%get3A_480, %get3A_481, %get3A_482] {strides = array<i32>} : memref<16x50x32xf32, #tpu.memory_space<vmem>>, vector<1x1x16xf32>,
        %get3A_484 = vector.shape_cast %get3A_483 : vector<1x1x16xf32> to vector<16xf32>
        %mul3A_485 = arith.constant 5.65685415 : f32
        %mul3A_486 = vector.broadcast %mul3A_485 : f32 to vector<16xf32>
        %mul3A_487 = arith.mulf %get3A_484, %mul3A_486 : vector<16xf32>
        %swap3A_488 = arith.constant 2 : i32
        %swap3A_489 = arith.index_cast %swap3A_488 : i32 to index
        %swap3A_490 = arith.index_cast %scan3A_400 : i32 to index
        %swap3A_491 = arith.constant 16 : index
        %swap3A_492 = tpu.vector_load %arg6[%swap3A_489, %swap3A_490, %swap3A_491] {strides = array<i32>} : memref<16x50x32xf32, #tpu.memory_space<vmem>>, vector<1x1x16xf32>,
        %swap3A_493 = vector.shape_cast %swap3A_492 : vector<1x1x16xf32> to vector<16xf32>
        %swap3A_494 = vector.shape_cast %mul3A_487 : vector<16xf32> to vector<1x1x16xf32>
        tpu.vector_store %arg6[%swap3A_489, %swap3A_490, %swap3A_491], %swap3A_494 {strides = array<i32>} : memref<16x50x32xf32, #tpu.memory_space<vmem>>, vector<1x1x16xf32>,
        %get3A_495 = arith.constant 3 : i32
        %get3A_496 = arith.index_cast %get3A_495 : i32 to index
        %get3A_497 = arith.index_cast %scan3A_400 : i32 to index
        %get3A_498 = arith.constant 0 : index
        %get3A_499 = tpu.vector_load %arg6[%get3A_496, %get3A_497, %get3A_498] {strides = array<i32>} : memref<16x50x32xf32, #tpu.memory_space<vmem>>, vector<1x1x16xf32>,
        %get3A_500 = vector.shape_cast %get3A_499 : vector<1x1x16xf32> to vector<16xf32>
        %mul3A_501 = arith.constant 5.65685415 : f32
        %mul3A_502 = vector.broadcast %mul3A_501 : f32 to vector<16xf32>
        %mul3A_503 = arith.mulf %get3A_500, %mul3A_502 : vector<16xf32>
        %swap3A_504 = arith.constant 3 : i32
        %swap3A_505 = arith.index_cast %swap3A_504 : i32 to index
        %swap3A_506 = arith.index_cast %scan3A_400 : i32 to index
        %swap3A_507 = arith.constant 0 : index
        %swap3A_508 = tpu.vector_load %arg6[%swap3A_505, %swap3A_506, %swap3A_507] {strides = array<i32>} : memref<16x50x32xf32, #tpu.memory_space<vmem>>, vector<1x1x16xf32>,
        %swap3A_509 = vector.shape_cast %swap3A_508 : vector<1x1x16xf32> to vector<16xf32>
        %swap3A_510 = vector.shape_cast %mul3A_503 : vector<16xf32> to vector<1x1x16xf32>
        tpu.vector_store %arg6[%swap3A_505, %swap3A_506, %swap3A_507], %swap3A_510 {strides = array<i32>} : memref<16x50x32xf32, #tpu.memory_space<vmem>>, vector<1x1x16xf32>,
        %get3A_511 = arith.constant 3 : i32
        %get3A_512 = arith.index_cast %get3A_511 : i32 to index
        %get3A_513 = arith.index_cast %scan3A_400 : i32 to index
        %get3A_514 = arith.constant 16 : index
        %get3A_515 = tpu.vector_load %arg6[%get3A_512, %get3A_513, %get3A_514] {strides = array<i32>} : memref<16x50x32xf32, #tpu.memory_space<vmem>>, vector<1x1x16xf32>,
        %get3A_516 = vector.shape_cast %get3A_515 : vector<1x1x16xf32> to vector<16xf32>
        %mul3A_517 = arith.constant 5.65685415 : f32
        %mul3A_518 = vector.broadcast %mul3A_517 : f32 to vector<16xf32>
        %mul3A_519 = arith.mulf %get3A_516, %mul3A_518 : vector<16xf32>
        %swap3A_520 = arith.constant 3 : i32
        %swap3A_521 = arith.index_cast %swap3A_520 : i32 to index
        %swap3A_522 = arith.index_cast %scan3A_400 : i32 to index
        %swap3A_523 = arith.constant 16 : index
        %swap3A_524 = tpu.vector_load %arg6[%swap3A_521, %swap3A_522, %swap3A_523] {strides = array<i32>} : memref<16x50x32xf32, #tpu.memory_space<vmem>>, vector<1x1x16xf32>,
        %swap3A_525 = vector.shape_cast %swap3A_524 : vector<1x1x16xf32> to vector<16xf32>
        %swap3A_526 = vector.shape_cast %mul3A_519 : vector<16xf32> to vector<1x1x16xf32>
        tpu.vector_store %arg6[%swap3A_521, %swap3A_522, %swap3A_523], %swap3A_526 {strides = array<i32>} : memref<16x50x32xf32, #tpu.memory_space<vmem>>, vector<1x1x16xf32>,
        %get3A_527 = arith.constant 4 : i32
        %get3A_528 = arith.index_cast %get3A_527 : i32 to index
        %get3A_529 = arith.index_cast %scan3A_400 : i32 to index
        %get3A_530 = arith.constant 0 : index
        %get3A_531 = tpu.vector_load %arg6[%get3A_528, %get3A_529, %get3A_530] {strides = array<i32>} : memref<16x50x32xf32, #tpu.memory_space<vmem>>, vector<1x1x16xf32>,
        %get3A_532 = vector.shape_cast %get3A_531 : vector<1x1x16xf32> to vector<16xf32>
        %mul3A_533 = arith.constant 5.65685415 : f32
        %mul3A_534 = vector.broadcast %mul3A_533 : f32 to vector<16xf32>
        %mul3A_535 = arith.mulf %get3A_532, %mul3A_534 : vector<16xf32>
        %swap3A_536 = arith.constant 4 : i32
        %swap3A_537 = arith.index_cast %swap3A_536 : i32 to index
        %swap3A_538 = arith.index_cast %scan3A_400 : i32 to index
        %swap3A_539 = arith.constant 0 : index
        %swap3A_540 = tpu.vector_load %arg6[%swap3A_537, %swap3A_538, %swap3A_539] {strides = array<i32>} : memref<16x50x32xf32, #tpu.memory_space<vmem>>, vector<1x1x16xf32>,
        %swap3A_541 = vector.shape_cast %swap3A_540 : vector<1x1x16xf32> to vector<16xf32>
        %swap3A_542 = vector.shape_cast %mul3A_535 : vector<16xf32> to vector<1x1x16xf32>
        tpu.vector_store %arg6[%swap3A_537, %swap3A_538, %swap3A_539], %swap3A_542 {strides = array<i32>} : memref<16x50x32xf32, #tpu.memory_space<vmem>>, vector<1x1x16xf32>,
        %get3A_543 = arith.constant 4 : i32
        %get3A_544 = arith.index_cast %get3A_543 : i32 to index
        %get3A_545 = arith.index_cast %scan3A_400 : i32 to index
        %get3A_546 = arith.constant 16 : index
        %get3A_547 = tpu.vector_load %arg6[%get3A_544, %get3A_545, %get3A_546] {strides = array<i32>} : memref<16x50x32xf32, #tpu.memory_space<vmem>>, vector<1x1x16xf32>,
        %get3A_548 = vector.shape_cast %get3A_547 : vector<1x1x16xf32> to vector<16xf32>
        %mul3A_549 = arith.constant 5.65685415 : f32
        %mul3A_550 = vector.broadcast %mul3A_549 : f32 to vector<16xf32>
        %mul3A_551 = arith.mulf %get3A_548, %mul3A_550 : vector<16xf32>
        %swap3A_552 = arith.constant 4 : i32
        %swap3A_553 = arith.index_cast %swap3A_552 : i32 to index
        %swap3A_554 = arith.index_cast %scan3A_400 : i32 to index
        %swap3A_555 = arith.constant 16 : index
        %swap3A_556 = tpu.vector_load %arg6[%swap3A_553, %swap3A_554, %swap3A_555] {strides = array<i32>} : memref<16x50x32xf32, #tpu.memory_space<vmem>>, vector<1x1x16xf32>,
        %swap3A_557 = vector.shape_cast %swap3A_556 : vector<1x1x16xf32> to vector<16xf32>
        %swap3A_558 = vector.shape_cast %mul3A_551 : vector<16xf32> to vector<1x1x16xf32>
        tpu.vector_store %arg6[%swap3A_553, %swap3A_554, %swap3A_555], %swap3A_558 {strides = array<i32>} : memref<16x50x32xf32, #tpu.memory_space<vmem>>, vector<1x1x16xf32>,
        %get3A_559 = arith.constant 5 : i32
        %get3A_560 = arith.index_cast %get3A_559 : i32 to index
        %get3A_561 = arith.index_cast %scan3A_400 : i32 to index
        %get3A_562 = arith.constant 0 : index
        %get3A_563 = tpu.vector_load %arg6[%get3A_560, %get3A_561, %get3A_562] {strides = array<i32>} : memref<16x50x32xf32, #tpu.memory_space<vmem>>, vector<1x1x16xf32>,
        %get3A_564 = vector.shape_cast %get3A_563 : vector<1x1x16xf32> to vector<16xf32>
        %mul3A_565 = arith.constant 5.65685415 : f32
        %mul3A_566 = vector.broadcast %mul3A_565 : f32 to vector<16xf32>
        %mul3A_567 = arith.mulf %get3A_564, %mul3A_566 : vector<16xf32>
        %swap3A_568 = arith.constant 5 : i32
        %swap3A_569 = arith.index_cast %swap3A_568 : i32 to index
        %swap3A_570 = arith.index_cast %scan3A_400 : i32 to index
        %swap3A_571 = arith.constant 0 : index
        %swap3A_572 = tpu.vector_load %arg6[%swap3A_569, %swap3A_570, %swap3A_571] {strides = array<i32>} : memref<16x50x32xf32, #tpu.memory_space<vmem>>, vector<1x1x16xf32>,
        %swap3A_573 = vector.shape_cast %swap3A_572 : vector<1x1x16xf32> to vector<16xf32>
        %swap3A_574 = vector.shape_cast %mul3A_567 : vector<16xf32> to vector<1x1x16xf32>
        tpu.vector_store %arg6[%swap3A_569, %swap3A_570, %swap3A_571], %swap3A_574 {strides = array<i32>} : memref<16x50x32xf32, #tpu.memory_space<vmem>>, vector<1x1x16xf32>,
        %get3A_575 = arith.constant 5 : i32
        %get3A_576 = arith.index_cast %get3A_575 : i32 to index
        %get3A_577 = arith.index_cast %scan3A_400 : i32 to index
        %get3A_578 = arith.constant 16 : index
        %get3A_579 = tpu.vector_load %arg6[%get3A_576, %get3A_577, %get3A_578] {strides = array<i32>} : memref<16x50x32xf32, #tpu.memory_space<vmem>>, vector<1x1x16xf32>,
        %get3A_580 = vector.shape_cast %get3A_579 : vector<1x1x16xf32> to vector<16xf32>
        %mul3A_581 = arith.constant 5.65685415 : f32
        %mul3A_582 = vector.broadcast %mul3A_581 : f32 to vector<16xf32>
        %mul3A_583 = arith.mulf %get3A_580, %mul3A_582 : vector<16xf32>
        %swap3A_584 = arith.constant 5 : i32
        %swap3A_585 = arith.index_cast %swap3A_584 : i32 to index
        %swap3A_586 = arith.index_cast %scan3A_400 : i32 to index
        %swap3A_587 = arith.constant 16 : index
        %swap3A_588 = tpu.vector_load %arg6[%swap3A_585, %swap3A_586, %swap3A_587] {strides = array<i32>} : memref<16x50x32xf32, #tpu.memory_space<vmem>>, vector<1x1x16xf32>,
        %swap3A_589 = vector.shape_cast %swap3A_588 : vector<1x1x16xf32> to vector<16xf32>
        %swap3A_590 = vector.shape_cast %mul3A_583 : vector<16xf32> to vector<1x1x16xf32>
        tpu.vector_store %arg6[%swap3A_585, %swap3A_586, %swap3A_587], %swap3A_590 {strides = array<i32>} : memref<16x50x32xf32, #tpu.memory_space<vmem>>, vector<1x1x16xf32>,
        %get3A_591 = arith.constant 6 : i32
        %get3A_592 = arith.index_cast %get3A_591 : i32 to index
        %get3A_593 = arith.index_cast %scan3A_400 : i32 to index
        %get3A_594 = arith.constant 0 : index
        %get3A_595 = tpu.vector_load %arg6[%get3A_592, %get3A_593, %get3A_594] {strides = array<i32>} : memref<16x50x32xf32, #tpu.memory_space<vmem>>, vector<1x1x16xf32>,
        %get3A_596 = vector.shape_cast %get3A_595 : vector<1x1x16xf32> to vector<16xf32>
        %mul3A_597 = arith.constant 5.65685415 : f32
        %mul3A_598 = vector.broadcast %mul3A_597 : f32 to vector<16xf32>
        %mul3A_599 = arith.mulf %get3A_596, %mul3A_598 : vector<16xf32>
        %swap3A_600 = arith.constant 6 : i32
        %swap3A_601 = arith.index_cast %swap3A_600 : i32 to index
        %swap3A_602 = arith.index_cast %scan3A_400 : i32 to index
        %swap3A_603 = arith.constant 0 : index
        %swap3A_604 = tpu.vector_load %arg6[%swap3A_601, %swap3A_602, %swap3A_603] {strides = array<i32>} : memref<16x50x32xf32, #tpu.memory_space<vmem>>, vector<1x1x16xf32>,
        %swap3A_605 = vector.shape_cast %swap3A_604 : vector<1x1x16xf32> to vector<16xf32>
        %swap3A_606 = vector.shape_cast %mul3A_599 : vector<16xf32> to vector<1x1x16xf32>
        tpu.vector_store %arg6[%swap3A_601, %swap3A_602, %swap3A_603], %swap3A_606 {strides = array<i32>} : memref<16x50x32xf32, #tpu.memory_space<vmem>>, vector<1x1x16xf32>,
        %get3A_607 = arith.constant 6 : i32
        %get3A_608 = arith.index_cast %get3A_607 : i32 to index
        %get3A_609 = arith.index_cast %scan3A_400 : i32 to index
        %get3A_610 = arith.constant 16 : index
        %get3A_611 = tpu.vector_load %arg6[%get3A_608, %get3A_609, %get3A_610] {strides = array<i32>} : memref<16x50x32xf32, #tpu.memory_space<vmem>>, vector<1x1x16xf32>,
        %get3A_612 = vector.shape_cast %get3A_611 : vector<1x1x16xf32> to vector<16xf32>
        %mul3A_613 = arith.constant 5.65685415 : f32
        %mul3A_614 = vector.broadcast %mul3A_613 : f32 to vector<16xf32>
        %mul3A_615 = arith.mulf %get3A_612, %mul3A_614 : vector<16xf32>
        %swap3A_616 = arith.constant 6 : i32
        %swap3A_617 = arith.index_cast %swap3A_616 : i32 to index
        %swap3A_618 = arith.index_cast %scan3A_400 : i32 to index
        %swap3A_619 = arith.constant 16 : index
        %swap3A_620 = tpu.vector_load %arg6[%swap3A_617, %swap3A_618, %swap3A_619] {strides = array<i32>} : memref<16x50x32xf32, #tpu.memory_space<vmem>>, vector<1x1x16xf32>,
        %swap3A_621 = vector.shape_cast %swap3A_620 : vector<1x1x16xf32> to vector<16xf32>
        %swap3A_622 = vector.shape_cast %mul3A_615 : vector<16xf32> to vector<1x1x16xf32>
        tpu.vector_store %arg6[%swap3A_617, %swap3A_618, %swap3A_619], %swap3A_622 {strides = array<i32>} : memref<16x50x32xf32, #tpu.memory_space<vmem>>, vector<1x1x16xf32>,
        %get3A_623 = arith.constant 7 : i32
        %get3A_624 = arith.index_cast %get3A_623 : i32 to index
        %get3A_625 = arith.index_cast %scan3A_400 : i32 to index
        %get3A_626 = arith.constant 0 : index
        %get3A_627 = tpu.vector_load %arg6[%get3A_624, %get3A_625, %get3A_626] {strides = array<i32>} : memref<16x50x32xf32, #tpu.memory_space<vmem>>, vector<1x1x16xf32>,
        %get3A_628 = vector.shape_cast %get3A_627 : vector<1x1x16xf32> to vector<16xf32>
        %mul3A_629 = arith.constant 5.65685415 : f32
        %mul3A_630 = vector.broadcast %mul3A_629 : f32 to vector<16xf32>
        %mul3A_631 = arith.mulf %get3A_628, %mul3A_630 : vector<16xf32>
        %swap3A_632 = arith.constant 7 : i32
        %swap3A_633 = arith.index_cast %swap3A_632 : i32 to index
        %swap3A_634 = arith.index_cast %scan3A_400 : i32 to index
        %swap3A_635 = arith.constant 0 : index
        %swap3A_636 = tpu.vector_load %arg6[%swap3A_633, %swap3A_634, %swap3A_635] {strides = array<i32>} : memref<16x50x32xf32, #tpu.memory_space<vmem>>, vector<1x1x16xf32>,
        %swap3A_637 = vector.shape_cast %swap3A_636 : vector<1x1x16xf32> to vector<16xf32>
        %swap3A_638 = vector.shape_cast %mul3A_631 : vector<16xf32> to vector<1x1x16xf32>
        tpu.vector_store %arg6[%swap3A_633, %swap3A_634, %swap3A_635], %swap3A_638 {strides = array<i32>} : memref<16x50x32xf32, #tpu.memory_space<vmem>>, vector<1x1x16xf32>,
        %get3A_639 = arith.constant 7 : i32
        %get3A_640 = arith.index_cast %get3A_639 : i32 to index
        %get3A_641 = arith.index_cast %scan3A_400 : i32 to index
        %get3A_642 = arith.constant 16 : index
        %get3A_643 = tpu.vector_load %arg6[%get3A_640, %get3A_641, %get3A_642] {strides = array<i32>} : memref<16x50x32xf32, #tpu.memory_space<vmem>>, vector<1x1x16xf32>,
        %get3A_644 = vector.shape_cast %get3A_643 : vector<1x1x16xf32> to vector<16xf32>
        %mul3A_645 = arith.constant 5.65685415 : f32
        %mul3A_646 = vector.broadcast %mul3A_645 : f32 to vector<16xf32>
        %mul3A_647 = arith.mulf %get3A_644, %mul3A_646 : vector<16xf32>
        %swap3A_648 = arith.constant 7 : i32
        %swap3A_649 = arith.index_cast %swap3A_648 : i32 to index
        %swap3A_650 = arith.index_cast %scan3A_400 : i32 to index
        %swap3A_651 = arith.constant 16 : index
        %swap3A_652 = tpu.vector_load %arg6[%swap3A_649, %swap3A_650, %swap3A_651] {strides = array<i32>} : memref<16x50x32xf32, #tpu.memory_space<vmem>>, vector<1x1x16xf32>,
        %swap3A_653 = vector.shape_cast %swap3A_652 : vector<1x1x16xf32> to vector<16xf32>
        %swap3A_654 = vector.shape_cast %mul3A_647 : vector<16xf32> to vector<1x1x16xf32>
        tpu.vector_store %arg6[%swap3A_649, %swap3A_650, %swap3A_651], %swap3A_654 {strides = array<i32>} : memref<16x50x32xf32, #tpu.memory_space<vmem>>, vector<1x1x16xf32>,
        %get3A_655 = arith.constant 8 : i32
        %get3A_656 = arith.index_cast %get3A_655 : i32 to index
        %get3A_657 = arith.index_cast %scan3A_400 : i32 to index
        %get3A_658 = arith.constant 0 : index
        %get3A_659 = tpu.vector_load %arg6[%get3A_656, %get3A_657, %get3A_658] {strides = array<i32>} : memref<16x50x32xf32, #tpu.memory_space<vmem>>, vector<1x1x16xf32>,
        %get3A_660 = vector.shape_cast %get3A_659 : vector<1x1x16xf32> to vector<16xf32>
        %mul3A_661 = arith.constant 5.65685415 : f32
        %mul3A_662 = vector.broadcast %mul3A_661 : f32 to vector<16xf32>
        %mul3A_663 = arith.mulf %get3A_660, %mul3A_662 : vector<16xf32>
        %swap3A_664 = arith.constant 8 : i32
        %swap3A_665 = arith.index_cast %swap3A_664 : i32 to index
        %swap3A_666 = arith.index_cast %scan3A_400 : i32 to index
        %swap3A_667 = arith.constant 0 : index
        %swap3A_668 = tpu.vector_load %arg6[%swap3A_665, %swap3A_666, %swap3A_667] {strides = array<i32>} : memref<16x50x32xf32, #tpu.memory_space<vmem>>, vector<1x1x16xf32>,
        %swap3A_669 = vector.shape_cast %swap3A_668 : vector<1x1x16xf32> to vector<16xf32>
        %swap3A_670 = vector.shape_cast %mul3A_663 : vector<16xf32> to vector<1x1x16xf32>
        tpu.vector_store %arg6[%swap3A_665, %swap3A_666, %swap3A_667], %swap3A_670 {strides = array<i32>} : memref<16x50x32xf32, #tpu.memory_space<vmem>>, vector<1x1x16xf32>,
        %get3A_671 = arith.constant 8 : i32
        %get3A_672 = arith.index_cast %get3A_671 : i32 to index
        %get3A_673 = arith.index_cast %scan3A_400 : i32 to index
        %get3A_674 = arith.constant 16 : index
        %get3A_675 = tpu.vector_load %arg6[%get3A_672, %get3A_673, %get3A_674] {strides = array<i32>} : memref<16x50x32xf32, #tpu.memory_space<vmem>>, vector<1x1x16xf32>,
        %get3A_676 = vector.shape_cast %get3A_675 : vector<1x1x16xf32> to vector<16xf32>
        %mul3A_677 = arith.constant 5.65685415 : f32
        %mul3A_678 = vector.broadcast %mul3A_677 : f32 to vector<16xf32>
        %mul3A_679 = arith.mulf %get3A_676, %mul3A_678 : vector<16xf32>
        %swap3A_680 = arith.constant 8 : i32
        %swap3A_681 = arith.index_cast %swap3A_680 : i32 to index
        %swap3A_682 = arith.index_cast %scan3A_400 : i32 to index
        %swap3A_683 = arith.constant 16 : index
        %swap3A_684 = tpu.vector_load %arg6[%swap3A_681, %swap3A_682, %swap3A_683] {strides = array<i32>} : memref<16x50x32xf32, #tpu.memory_space<vmem>>, vector<1x1x16xf32>,
        %swap3A_685 = vector.shape_cast %swap3A_684 : vector<1x1x16xf32> to vector<16xf32>
        %swap3A_686 = vector.shape_cast %mul3A_679 : vector<16xf32> to vector<1x1x16xf32>
        tpu.vector_store %arg6[%swap3A_681, %swap3A_682, %swap3A_683], %swap3A_686 {strides = array<i32>} : memref<16x50x32xf32, #tpu.memory_space<vmem>>, vector<1x1x16xf32>,
        %get3A_687 = arith.constant 9 : i32
        %get3A_688 = arith.index_cast %get3A_687 : i32 to index
        %get3A_689 = arith.index_cast %scan3A_400 : i32 to index
        %get3A_690 = arith.constant 0 : index
        %get3A_691 = tpu.vector_load %arg6[%get3A_688, %get3A_689, %get3A_690] {strides = array<i32>} : memref<16x50x32xf32, #tpu.memory_space<vmem>>, vector<1x1x16xf32>,
        %get3A_692 = vector.shape_cast %get3A_691 : vector<1x1x16xf32> to vector<16xf32>
        %mul3A_693 = arith.constant 5.65685415 : f32
        %mul3A_694 = vector.broadcast %mul3A_693 : f32 to vector<16xf32>
        %mul3A_695 = arith.mulf %get3A_692, %mul3A_694 : vector<16xf32>
        %swap3A_696 = arith.constant 9 : i32
        %swap3A_697 = arith.index_cast %swap3A_696 : i32 to index
        %swap3A_698 = arith.index_cast %scan3A_400 : i32 to index
        %swap3A_699 = arith.constant 0 : index
        %swap3A_700 = tpu.vector_load %arg6[%swap3A_697, %swap3A_698, %swap3A_699] {strides = array<i32>} : memref<16x50x32xf32, #tpu.memory_space<vmem>>, vector<1x1x16xf32>,
        %swap3A_701 = vector.shape_cast %swap3A_700 : vector<1x1x16xf32> to vector<16xf32>
        %swap3A_702 = vector.shape_cast %mul3A_695 : vector<16xf32> to vector<1x1x16xf32>
        tpu.vector_store %arg6[%swap3A_697, %swap3A_698, %swap3A_699], %swap3A_702 {strides = array<i32>} : memref<16x50x32xf32, #tpu.memory_space<vmem>>, vector<1x1x16xf32>,
        %get3A_703 = arith.constant 9 : i32
        %get3A_704 = arith.index_cast %get3A_703 : i32 to index
        %get3A_705 = arith.index_cast %scan3A_400 : i32 to index
        %get3A_706 = arith.constant 16 : index
        %get3A_707 = tpu.vector_load %arg6[%get3A_704, %get3A_705, %get3A_706] {strides = array<i32>} : memref<16x50x32xf32, #tpu.memory_space<vmem>>, vector<1x1x16xf32>,
        %get3A_708 = vector.shape_cast %get3A_707 : vector<1x1x16xf32> to vector<16xf32>
        %mul3A_709 = arith.constant 5.65685415 : f32
        %mul3A_710 = vector.broadcast %mul3A_709 : f32 to vector<16xf32>
        %mul3A_711 = arith.mulf %get3A_708, %mul3A_710 : vector<16xf32>
        %swap3A_712 = arith.constant 9 : i32
        %swap3A_713 = arith.index_cast %swap3A_712 : i32 to index
        %swap3A_714 = arith.index_cast %scan3A_400 : i32 to index
        %swap3A_715 = arith.constant 16 : index
        %swap3A_716 = tpu.vector_load %arg6[%swap3A_713, %swap3A_714, %swap3A_715] {strides = array<i32>} : memref<16x50x32xf32, #tpu.memory_space<vmem>>, vector<1x1x16xf32>,
        %swap3A_717 = vector.shape_cast %swap3A_716 : vector<1x1x16xf32> to vector<16xf32>
        %swap3A_718 = vector.shape_cast %mul3A_711 : vector<16xf32> to vector<1x1x16xf32>
        tpu.vector_store %arg6[%swap3A_713, %swap3A_714, %swap3A_715], %swap3A_718 {strides = array<i32>} : memref<16x50x32xf32, #tpu.memory_space<vmem>>, vector<1x1x16xf32>,
        %get3A_719 = arith.constant 10 : i32
        %get3A_720 = arith.index_cast %get3A_719 : i32 to index
        %get3A_721 = arith.index_cast %scan3A_400 : i32 to index
        %get3A_722 = arith.constant 0 : index
        %get3A_723 = tpu.vector_load %arg6[%get3A_720, %get3A_721, %get3A_722] {strides = array<i32>} : memref<16x50x32xf32, #tpu.memory_space<vmem>>, vector<1x1x16xf32>,
        %get3A_724 = vector.shape_cast %get3A_723 : vector<1x1x16xf32> to vector<16xf32>
        %mul3A_725 = arith.constant 5.65685415 : f32
        %mul3A_726 = vector.broadcast %mul3A_725 : f32 to vector<16xf32>
        %mul3A_727 = arith.mulf %get3A_724, %mul3A_726 : vector<16xf32>
        %swap3A_728 = arith.constant 10 : i32
        %swap3A_729 = arith.index_cast %swap3A_728 : i32 to index
        %swap3A_730 = arith.index_cast %scan3A_400 : i32 to index
        %swap3A_731 = arith.constant 0 : index
        %swap3A_732 = tpu.vector_load %arg6[%swap3A_729, %swap3A_730, %swap3A_731] {strides = array<i32>} : memref<16x50x32xf32, #tpu.memory_space<vmem>>, vector<1x1x16xf32>,
        %swap3A_733 = vector.shape_cast %swap3A_732 : vector<1x1x16xf32> to vector<16xf32>
        %swap3A_734 = vector.shape_cast %mul3A_727 : vector<16xf32> to vector<1x1x16xf32>
        tpu.vector_store %arg6[%swap3A_729, %swap3A_730, %swap3A_731], %swap3A_734 {strides = array<i32>} : memref<16x50x32xf32, #tpu.memory_space<vmem>>, vector<1x1x16xf32>,
        %get3A_735 = arith.constant 10 : i32
        %get3A_736 = arith.index_cast %get3A_735 : i32 to index
        %get3A_737 = arith.index_cast %scan3A_400 : i32 to index
        %get3A_738 = arith.constant 16 : index
        %get3A_739 = tpu.vector_load %arg6[%get3A_736, %get3A_737, %get3A_738] {strides = array<i32>} : memref<16x50x32xf32, #tpu.memory_space<vmem>>, vector<1x1x16xf32>,
        %get3A_740 = vector.shape_cast %get3A_739 : vector<1x1x16xf32> to vector<16xf32>
        %mul3A_741 = arith.constant 5.65685415 : f32
        %mul3A_742 = vector.broadcast %mul3A_741 : f32 to vector<16xf32>
        %mul3A_743 = arith.mulf %get3A_740, %mul3A_742 : vector<16xf32>
        %swap3A_744 = arith.constant 10 : i32
        %swap3A_745 = arith.index_cast %swap3A_744 : i32 to index
        %swap3A_746 = arith.index_cast %scan3A_400 : i32 to index
        %swap3A_747 = arith.constant 16 : index
        %swap3A_748 = tpu.vector_load %arg6[%swap3A_745, %swap3A_746, %swap3A_747] {strides = array<i32>} : memref<16x50x32xf32, #tpu.memory_space<vmem>>, vector<1x1x16xf32>,
        %swap3A_749 = vector.shape_cast %swap3A_748 : vector<1x1x16xf32> to vector<16xf32>
        %swap3A_750 = vector.shape_cast %mul3A_743 : vector<16xf32> to vector<1x1x16xf32>
        tpu.vector_store %arg6[%swap3A_745, %swap3A_746, %swap3A_747], %swap3A_750 {strides = array<i32>} : memref<16x50x32xf32, #tpu.memory_space<vmem>>, vector<1x1x16xf32>,
        %get3A_751 = arith.constant 11 : i32
        %get3A_752 = arith.index_cast %get3A_751 : i32 to index
        %get3A_753 = arith.index_cast %scan3A_400 : i32 to index
        %get3A_754 = arith.constant 0 : index
        %get3A_755 = tpu.vector_load %arg6[%get3A_752, %get3A_753, %get3A_754] {strides = array<i32>} : memref<16x50x32xf32, #tpu.memory_space<vmem>>, vector<1x1x16xf32>,
        %get3A_756 = vector.shape_cast %get3A_755 : vector<1x1x16xf32> to vector<16xf32>
        %mul3A_757 = arith.constant 5.65685415 : f32
        %mul3A_758 = vector.broadcast %mul3A_757 : f32 to vector<16xf32>
        %mul3A_759 = arith.mulf %get3A_756, %mul3A_758 : vector<16xf32>
        %swap3A_760 = arith.constant 11 : i32
        %swap3A_761 = arith.index_cast %swap3A_760 : i32 to index
        %swap3A_762 = arith.index_cast %scan3A_400 : i32 to index
        %swap3A_763 = arith.constant 0 : index
        %swap3A_764 = tpu.vector_load %arg6[%swap3A_761, %swap3A_762, %swap3A_763] {strides = array<i32>} : memref<16x50x32xf32, #tpu.memory_space<vmem>>, vector<1x1x16xf32>,
        %swap3A_765 = vector.shape_cast %swap3A_764 : vector<1x1x16xf32> to vector<16xf32>
        %swap3A_766 = vector.shape_cast %mul3A_759 : vector<16xf32> to vector<1x1x16xf32>
        tpu.vector_store %arg6[%swap3A_761, %swap3A_762, %swap3A_763], %swap3A_766 {strides = array<i32>} : memref<16x50x32xf32, #tpu.memory_space<vmem>>, vector<1x1x16xf32>,
        %get3A_767 = arith.constant 11 : i32
        %get3A_768 = arith.index_cast %get3A_767 : i32 to index
        %get3A_769 = arith.index_cast %scan3A_400 : i32 to index
        %get3A_770 = arith.constant 16 : index
        %get3A_771 = tpu.vector_load %arg6[%get3A_768, %get3A_769, %get3A_770] {strides = array<i32>} : memref<16x50x32xf32, #tpu.memory_space<vmem>>, vector<1x1x16xf32>,
        %get3A_772 = vector.shape_cast %get3A_771 : vector<1x1x16xf32> to vector<16xf32>
        %mul3A_773 = arith.constant 5.65685415 : f32
        %mul3A_774 = vector.broadcast %mul3A_773 : f32 to vector<16xf32>
        %mul3A_775 = arith.mulf %get3A_772, %mul3A_774 : vector<16xf32>
        %swap3A_776 = arith.constant 11 : i32
        %swap3A_777 = arith.index_cast %swap3A_776 : i32 to index
        %swap3A_778 = arith.index_cast %scan3A_400 : i32 to index
        %swap3A_779 = arith.constant 16 : index
        %swap3A_780 = tpu.vector_load %arg6[%swap3A_777, %swap3A_778, %swap3A_779] {strides = array<i32>} : memref<16x50x32xf32, #tpu.memory_space<vmem>>, vector<1x1x16xf32>,
        %swap3A_781 = vector.shape_cast %swap3A_780 : vector<1x1x16xf32> to vector<16xf32>
        %swap3A_782 = vector.shape_cast %mul3A_775 : vector<16xf32> to vector<1x1x16xf32>
        tpu.vector_store %arg6[%swap3A_777, %swap3A_778, %swap3A_779], %swap3A_782 {strides = array<i32>} : memref<16x50x32xf32, #tpu.memory_space<vmem>>, vector<1x1x16xf32>,
        %get3A_783 = arith.constant 12 : i32
        %get3A_784 = arith.index_cast %get3A_783 : i32 to index
        %get3A_785 = arith.index_cast %scan3A_400 : i32 to index
        %get3A_786 = arith.constant 0 : index
        %get3A_787 = tpu.vector_load %arg6[%get3A_784, %get3A_785, %get3A_786] {strides = array<i32>} : memref<16x50x32xf32, #tpu.memory_space<vmem>>, vector<1x1x16xf32>,
        %get3A_788 = vector.shape_cast %get3A_787 : vector<1x1x16xf32> to vector<16xf32>
        %mul3A_789 = arith.constant 5.65685415 : f32
        %mul3A_790 = vector.broadcast %mul3A_789 : f32 to vector<16xf32>
        %mul3A_791 = arith.mulf %get3A_788, %mul3A_790 : vector<16xf32>
        %swap3A_792 = arith.constant 12 : i32
        %swap3A_793 = arith.index_cast %swap3A_792 : i32 to index
        %swap3A_794 = arith.index_cast %scan3A_400 : i32 to index
        %swap3A_795 = arith.constant 0 : index
        %swap3A_796 = tpu.vector_load %arg6[%swap3A_793, %swap3A_794, %swap3A_795] {strides = array<i32>} : memref<16x50x32xf32, #tpu.memory_space<vmem>>, vector<1x1x16xf32>,
        %swap3A_797 = vector.shape_cast %swap3A_796 : vector<1x1x16xf32> to vector<16xf32>
        %swap3A_798 = vector.shape_cast %mul3A_791 : vector<16xf32> to vector<1x1x16xf32>
        tpu.vector_store %arg6[%swap3A_793, %swap3A_794, %swap3A_795], %swap3A_798 {strides = array<i32>} : memref<16x50x32xf32, #tpu.memory_space<vmem>>, vector<1x1x16xf32>,
        %get3A_799 = arith.constant 12 : i32
        %get3A_800 = arith.index_cast %get3A_799 : i32 to index
        %get3A_801 = arith.index_cast %scan3A_400 : i32 to index
        %get3A_802 = arith.constant 16 : index
        %get3A_803 = tpu.vector_load %arg6[%get3A_800, %get3A_801, %get3A_802] {strides = array<i32>} : memref<16x50x32xf32, #tpu.memory_space<vmem>>, vector<1x1x16xf32>,
        %get3A_804 = vector.shape_cast %get3A_803 : vector<1x1x16xf32> to vector<16xf32>
        %mul3A_805 = arith.constant 5.65685415 : f32
        %mul3A_806 = vector.broadcast %mul3A_805 : f32 to vector<16xf32>
        %mul3A_807 = arith.mulf %get3A_804, %mul3A_806 : vector<16xf32>
        %swap3A_808 = arith.constant 12 : i32
        %swap3A_809 = arith.index_cast %swap3A_808 : i32 to index
        %swap3A_810 = arith.index_cast %scan3A_400 : i32 to index
        %swap3A_811 = arith.constant 16 : index
        %swap3A_812 = tpu.vector_load %arg6[%swap3A_809, %swap3A_810, %swap3A_811] {strides = array<i32>} : memref<16x50x32xf32, #tpu.memory_space<vmem>>, vector<1x1x16xf32>,
        %swap3A_813 = vector.shape_cast %swap3A_812 : vector<1x1x16xf32> to vector<16xf32>
        %swap3A_814 = vector.shape_cast %mul3A_807 : vector<16xf32> to vector<1x1x16xf32>
        tpu.vector_store %arg6[%swap3A_809, %swap3A_810, %swap3A_811], %swap3A_814 {strides = array<i32>} : memref<16x50x32xf32, #tpu.memory_space<vmem>>, vector<1x1x16xf32>,
        %get3A_815 = arith.constant 13 : i32
        %get3A_816 = arith.index_cast %get3A_815 : i32 to index
        %get3A_817 = arith.index_cast %scan3A_400 : i32 to index
        %get3A_818 = arith.constant 0 : index
        %get3A_819 = tpu.vector_load %arg6[%get3A_816, %get3A_817, %get3A_818] {strides = array<i32>} : memref<16x50x32xf32, #tpu.memory_space<vmem>>, vector<1x1x16xf32>,
        %get3A_820 = vector.shape_cast %get3A_819 : vector<1x1x16xf32> to vector<16xf32>
        %mul3A_821 = arith.constant 5.65685415 : f32
        %mul3A_822 = vector.broadcast %mul3A_821 : f32 to vector<16xf32>
        %mul3A_823 = arith.mulf %get3A_820, %mul3A_822 : vector<16xf32>
        %swap3A_824 = arith.constant 13 : i32
        %swap3A_825 = arith.index_cast %swap3A_824 : i32 to index
        %swap3A_826 = arith.index_cast %scan3A_400 : i32 to index
        %swap3A_827 = arith.constant 0 : index
        %swap3A_828 = tpu.vector_load %arg6[%swap3A_825, %swap3A_826, %swap3A_827] {strides = array<i32>} : memref<16x50x32xf32, #tpu.memory_space<vmem>>, vector<1x1x16xf32>,
        %swap3A_829 = vector.shape_cast %swap3A_828 : vector<1x1x16xf32> to vector<16xf32>
        %swap3A_830 = vector.shape_cast %mul3A_823 : vector<16xf32> to vector<1x1x16xf32>
        tpu.vector_store %arg6[%swap3A_825, %swap3A_826, %swap3A_827], %swap3A_830 {strides = array<i32>} : memref<16x50x32xf32, #tpu.memory_space<vmem>>, vector<1x1x16xf32>,
        %get3A_831 = arith.constant 13 : i32
        %get3A_832 = arith.index_cast %get3A_831 : i32 to index
        %get3A_833 = arith.index_cast %scan3A_400 : i32 to index
        %get3A_834 = arith.constant 16 : index
        %get3A_835 = tpu.vector_load %arg6[%get3A_832, %get3A_833, %get3A_834] {strides = array<i32>} : memref<16x50x32xf32, #tpu.memory_space<vmem>>, vector<1x1x16xf32>,
        %get3A_836 = vector.shape_cast %get3A_835 : vector<1x1x16xf32> to vector<16xf32>
        %mul3A_837 = arith.constant 5.65685415 : f32
        %mul3A_838 = vector.broadcast %mul3A_837 : f32 to vector<16xf32>
        %mul3A_839 = arith.mulf %get3A_836, %mul3A_838 : vector<16xf32>
        %swap3A_840 = arith.constant 13 : i32
        %swap3A_841 = arith.index_cast %swap3A_840 : i32 to index
        %swap3A_842 = arith.index_cast %scan3A_400 : i32 to index
        %swap3A_843 = arith.constant 16 : index
        %swap3A_844 = tpu.vector_load %arg6[%swap3A_841, %swap3A_842, %swap3A_843] {strides = array<i32>} : memref<16x50x32xf32, #tpu.memory_space<vmem>>, vector<1x1x16xf32>,
        %swap3A_845 = vector.shape_cast %swap3A_844 : vector<1x1x16xf32> to vector<16xf32>
        %swap3A_846 = vector.shape_cast %mul3A_839 : vector<16xf32> to vector<1x1x16xf32>
        tpu.vector_store %arg6[%swap3A_841, %swap3A_842, %swap3A_843], %swap3A_846 {strides = array<i32>} : memref<16x50x32xf32, #tpu.memory_space<vmem>>, vector<1x1x16xf32>,
        %get3A_847 = arith.constant 14 : i32
        %get3A_848 = arith.index_cast %get3A_847 : i32 to index
        %get3A_849 = arith.index_cast %scan3A_400 : i32 to index
        %get3A_850 = arith.constant 0 : index
        %get3A_851 = tpu.vector_load %arg6[%get3A_848, %get3A_849, %get3A_850] {strides = array<i32>} : memref<16x50x32xf32, #tpu.memory_space<vmem>>, vector<1x1x16xf32>,
        %get3A_852 = vector.shape_cast %get3A_851 : vector<1x1x16xf32> to vector<16xf32>
        %mul3A_853 = arith.constant 5.65685415 : f32
        %mul3A_854 = vector.broadcast %mul3A_853 : f32 to vector<16xf32>
        %mul3A_855 = arith.mulf %get3A_852, %mul3A_854 : vector<16xf32>
        %swap3A_856 = arith.constant 14 : i32
        %swap3A_857 = arith.index_cast %swap3A_856 : i32 to index
        %swap3A_858 = arith.index_cast %scan3A_400 : i32 to index
        %swap3A_859 = arith.constant 0 : index
        %swap3A_860 = tpu.vector_load %arg6[%swap3A_857, %swap3A_858, %swap3A_859] {strides = array<i32>} : memref<16x50x32xf32, #tpu.memory_space<vmem>>, vector<1x1x16xf32>,
        %swap3A_861 = vector.shape_cast %swap3A_860 : vector<1x1x16xf32> to vector<16xf32>
        %swap3A_862 = vector.shape_cast %mul3A_855 : vector<16xf32> to vector<1x1x16xf32>
        tpu.vector_store %arg6[%swap3A_857, %swap3A_858, %swap3A_859], %swap3A_862 {strides = array<i32>} : memref<16x50x32xf32, #tpu.memory_space<vmem>>, vector<1x1x16xf32>,
        %get3A_863 = arith.constant 14 : i32
        %get3A_864 = arith.index_cast %get3A_863 : i32 to index
        %get3A_865 = arith.index_cast %scan3A_400 : i32 to index
        %get3A_866 = arith.constant 16 : index
        %get3A_867 = tpu.vector_load %arg6[%get3A_864, %get3A_865, %get3A_866] {strides = array<i32>} : memref<16x50x32xf32, #tpu.memory_space<vmem>>, vector<1x1x16xf32>,
        %get3A_868 = vector.shape_cast %get3A_867 : vector<1x1x16xf32> to vector<16xf32>
        %mul3A_869 = arith.constant 5.65685415 : f32
        %mul3A_870 = vector.broadcast %mul3A_869 : f32 to vector<16xf32>
        %mul3A_871 = arith.mulf %get3A_868, %mul3A_870 : vector<16xf32>
        %swap3A_872 = arith.constant 14 : i32
        %swap3A_873 = arith.index_cast %swap3A_872 : i32 to index
        %swap3A_874 = arith.index_cast %scan3A_400 : i32 to index
        %swap3A_875 = arith.constant 16 : index
        %swap3A_876 = tpu.vector_load %arg6[%swap3A_873, %swap3A_874, %swap3A_875] {strides = array<i32>} : memref<16x50x32xf32, #tpu.memory_space<vmem>>, vector<1x1x16xf32>,
        %swap3A_877 = vector.shape_cast %swap3A_876 : vector<1x1x16xf32> to vector<16xf32>
        %swap3A_878 = vector.shape_cast %mul3A_871 : vector<16xf32> to vector<1x1x16xf32>
        tpu.vector_store %arg6[%swap3A_873, %swap3A_874, %swap3A_875], %swap3A_878 {strides = array<i32>} : memref<16x50x32xf32, #tpu.memory_space<vmem>>, vector<1x1x16xf32>,
        %get3A_879 = arith.constant 15 : i32
        %get3A_880 = arith.index_cast %get3A_879 : i32 to index
        %get3A_881 = arith.index_cast %scan3A_400 : i32 to index
        %get3A_882 = arith.constant 0 : index
        %get3A_883 = tpu.vector_load %arg6[%get3A_880, %get3A_881, %get3A_882] {strides = array<i32>} : memref<16x50x32xf32, #tpu.memory_space<vmem>>, vector<1x1x16xf32>,
        %get3A_884 = vector.shape_cast %get3A_883 : vector<1x1x16xf32> to vector<16xf32>
        %mul3A_885 = arith.constant 5.65685415 : f32
        %mul3A_886 = vector.broadcast %mul3A_885 : f32 to vector<16xf32>
        %mul3A_887 = arith.mulf %get3A_884, %mul3A_886 : vector<16xf32>
        %swap3A_888 = arith.constant 15 : i32
        %swap3A_889 = arith.index_cast %swap3A_888 : i32 to index
        %swap3A_890 = arith.index_cast %scan3A_400 : i32 to index
        %swap3A_891 = arith.constant 0 : index
        %swap3A_892 = tpu.vector_load %arg6[%swap3A_889, %swap3A_890, %swap3A_891] {strides = array<i32>} : memref<16x50x32xf32, #tpu.memory_space<vmem>>, vector<1x1x16xf32>,
        %swap3A_893 = vector.shape_cast %swap3A_892 : vector<1x1x16xf32> to vector<16xf32>
        %swap3A_894 = vector.shape_cast %mul3A_887 : vector<16xf32> to vector<1x1x16xf32>
        tpu.vector_store %arg6[%swap3A_889, %swap3A_890, %swap3A_891], %swap3A_894 {strides = array<i32>} : memref<16x50x32xf32, #tpu.memory_space<vmem>>, vector<1x1x16xf32>,
        %get3A_895 = arith.constant 15 : i32
        %get3A_896 = arith.index_cast %get3A_895 : i32 to index
        %get3A_897 = arith.index_cast %scan3A_400 : i32 to index
        %get3A_898 = arith.constant 16 : index
        %get3A_899 = tpu.vector_load %arg6[%get3A_896, %get3A_897, %get3A_898] {strides = array<i32>} : memref<16x50x32xf32, #tpu.memory_space<vmem>>, vector<1x1x16xf32>,
        %get3A_900 = vector.shape_cast %get3A_899 : vector<1x1x16xf32> to vector<16xf32>
        %mul3A_901 = arith.constant 5.65685415 : f32
        %mul3A_902 = vector.broadcast %mul3A_901 : f32 to vector<16xf32>
        %mul3A_903 = arith.mulf %get3A_900, %mul3A_902 : vector<16xf32>
        %swap3A_904 = arith.constant 15 : i32
        %swap3A_905 = arith.index_cast %swap3A_904 : i32 to index
        %swap3A_906 = arith.index_cast %scan3A_400 : i32 to index
        %swap3A_907 = arith.constant 16 : index
        %swap3A_908 = tpu.vector_load %arg6[%swap3A_905, %swap3A_906, %swap3A_907] {strides = array<i32>} : memref<16x50x32xf32, #tpu.memory_space<vmem>>, vector<1x1x16xf32>,
        %swap3A_909 = vector.shape_cast %swap3A_908 : vector<1x1x16xf32> to vector<16xf32>
        %swap3A_910 = vector.shape_cast %mul3A_903 : vector<16xf32> to vector<1x1x16xf32>
        tpu.vector_store %arg6[%swap3A_905, %swap3A_906, %swap3A_907], %swap3A_910 {strides = array<i32>} : memref<16x50x32xf32, #tpu.memory_space<vmem>>, vector<1x1x16xf32>,
      }
      %scan3A_399 = arith.constant 50 : i32
      "tpu.region"() ({
        %run_scoped3A = tpu.sem_alloc : memref<!tpu.dma_semaphore, #tpu.memory_space<semaphore_mem>>
        %dma_start3A_400 = arith.constant 0 : i32
        %dma_start3A_401 = arith.constant 0 : i32
        %dma_start3A_402 = tpu.memref_slice %arg4[%add3A_11, %dma_start3A_400, %dma_start3A_401] : memref<16384x50x32xf32, #tpu.memory_space<hbm>> -> memref<16x50x32xf32, #tpu.memory_space<hbm>>
        %dma_start3A_403 = arith.constant 0 : i32
        %dma_start3A_404 = arith.constant 0 : i32
        %dma_start3A_405 = tpu.memref_slice %arg4[%add3A_11, %dma_start3A_403, %dma_start3A_404] : memref<16384x50x32xf32, #tpu.memory_space<hbm>> -> memref<16x50x32xf32, #tpu.memory_space<hbm>>
        tpu.enqueue_dma source(%arg6 : memref<16x50x32xf32, #tpu.memory_space<vmem>>) target(%dma_start3A_405 : memref<16x50x32xf32, #tpu.memory_space<hbm>>) target_semaphore(%run_scoped3A : memref<!tpu.dma_semaphore, #tpu.memory_space<semaphore_mem>>)
        %dma_wait3A_406 = arith.constant 0 : i32
        %dma_wait3A_407 = arith.constant 0 : i32
        %dma_wait3A_408 = tpu.memref_slice %arg4[%add3A_11, %dma_wait3A_406, %dma_wait3A_407] : memref<16384x50x32xf32, #tpu.memory_space<hbm>> -> memref<16x50x32xf32, #tpu.memory_space<hbm>>
        %dma_wait3A_409 = arith.constant 0 : i32
        %dma_wait3A_410 = arith.constant 0 : i32
        %dma_wait3A_411 = tpu.memref_slice %arg4[%add3A_11, %dma_wait3A_409, %dma_wait3A_410] : memref<16384x50x32xf32, #tpu.memory_space<hbm>> -> memref<16x50x32xf32, #tpu.memory_space<hbm>>
        tpu.wait_dma2 semaphore(%run_scoped3A : memref<!tpu.dma_semaphore, #tpu.memory_space<semaphore_mem>>) src(%arg6 : memref<16x50x32xf32, #tpu.memory_space<vmem>>) dst(%dma_wait3A_411 : memref<16x50x32xf32, #tpu.memory_space<hbm>>)
        tpu.yield
      }) : () -> ()
    }
    %scan3A_7 = arith.constant 32 : i32
    return
  }
}

</mosaic_0001>

<sc_bundles>
// kernel: kernel.3.cloned.1.call-start
scs
__scs_entry_jumppad:
0x0: {  	(pc) =	sbr.rel $0x88, $3  }
0x1: {  	(tag) =	ssettag $0x0;
	lr =	simm.s32 $0x1  }
0x2: {  	[smem:$0x3F9F] =	sst lr;
	_ =	strace $0xD0000000  }
0x3: {  	_ = 	snop  }
0x4: {  	_ = 	snop  }
0x5: {  	_ = 	snop  }
0x6: {  	_ = 	snop  }
0x7: {  	_ = 	snop  }
__scs_overlays_trampoline_lowered:
0x8: {  	[smem:$0x3FAE] =	sst s0  }
0x9: {  	[smem:$0x3FAF] =	sst s1  }
0xa: {  	[smem:$0x3FB0] =	sst s2  }
0xb: {  	[smem:$0x3FB1] =	sst s3  }
0xc: {  	[smem:$0x3FB2] =	sst s4  }
0xd: {  	[smem:$0x3FB3] =	sst s5  }
0xe: {  	[smem:$0x3FB4] =	sst s6  }
0xf: {  	[smem:$0x3FB5] =	sst s7  }
0x10: {  	[smem:$0x3FB6] =	sst s8  }
0x11: {  	[smem:$0x3FB7] =	sst s9;
	s0 =	simm.s32 @!p0 $0x0  }
0x12: {  	s1 =	sld [smem:$0x3F9D];
	s0 =	simm.s32 @p0 $0x1  }
0x13: {  	[smem:$0x3FB8] =	sst s0;
	s0 =	simm.s32 @!p1 $0x0  }
0x14: {  	s2 =	sld [smem:$0x3F9C];
	s0 =	simm.s32 @p1 $0x1  }
0x15: {  	[smem:$0x3FB9] =	sst s0;
	s0 =	simm.s32 @!p2 $0x0  }
0x16: {  	s3 =	sld [smem:$0x3FDB];
	s0 =	simm.s32 @p2 $0x1  }
0x17: {  	s4 =	simm.s32 $0x1BF5;
	[smem:$0x3FBB] =	sst s0  }
0x18: {  	s0 =	sld [smem:$0x3F9E];
	_ =	swait.ge [sflag:s4], $0x0  }
0x19: {  	s7 =	sld [smem:$0x3F9F]  }
0x1a: {  	s8 =	sadd.s32 $0xFFFFE003, lr  }
0x1b: {  	s9 =	sadd.s32 $0xFFFFFEF7, lr;
	s5 =	simm.s32 $0xFFFFFFFF;
	p2 =	slt.u32 s8, $0xFFFFF086  }
0x1c: {  	p1 =	slt.u32 s9, $0xF7A;
	s5 =	simm.s32 @!p2 $0x0  }
0x1d: {  	s5 =	simm.s32 @p1 $0x1;
	p0 =	seq.s32 s7, s2  }
0x1e: {  	s7 =	smul.u32 @!p0 $0xF7A, s2;
	p2 =	seq.s32 @!p0 s5, $0x0  }
0x1f: {  	s9 =	smul.u32 $0xF7A, s1;
	s8 =	simm.s32 @!p0 $0x1BF5;
	p2 =	por !p2, p0  }
0x20: {  	[sflag:s8] =	ssyncset.s32 @!p0 $0xFFFFF086;
	s6 =	sadd.s32 @!p0 s3, s7;
	s7 =	simm.s32 @!p0 $0x108  }
0x21: {  	s3 =	sadd.s32 s3, s9;
	s6 =	sadd.s32 @!p0 $0x88, s6;
	s7 =	simm.s32 @p2 $0x1082  }
0x22: {  	[simem:s7], [sflag:s8] =	dma.local @!p0 [hbm:s6], $0xF7A  }
0x23: {  	s9 =	sor.u32 $0xD0000000, s2;
	s6 =	simm.s32 $0x108;
	_ =	swait.ge @!p0 [sflag:s8], $0x0  }
0x24: {  	s3 =	sadd.s32 $0x88, s3;
	s6 =	simm.s32 @!p1 $0x1082;
	[sflag:s4] =	ssyncset.s32 $0xFFFFF086  }
0x25: {  	[simem:s6], [sflag:s4] =	dma.local [hbm:s3], $0xF7A  }
0x26: {  	[smem:$0x3F9F] =	sst s1;
	(tag) =	ssettag s2;
	_ =	strace s9  }
0x27: {  	s1 =	sld [smem:$0x3FAF]  }
0x28: {  	s2 =	sld [smem:$0x3FB0]  }
0x29: {  	s4 =	sld [smem:$0x3FB2]  }
0x2a: {  	p0 =	seq.s32 s5, $0x0;
	s5 =	sld [smem:$0x3FB3]  }
0x2b: {  	s6 =	sld [smem:$0x3FB4]  }
0x2c: {  	s7 =	sld [smem:$0x3FB5]  }
0x2d: {  	s3 =	simm.s32 $0x108;
	s8 =	sld [smem:$0x3FB6]  }
0x2e: {  	s3 =	simm.s32 @!p0 $0x1082;
	s9 =	sld [smem:$0x3FB7]  }
0x2f: {  	lr =	sadd.s32 s0, s3;
	s0 =	sld [smem:$0x3FAE]  }
0x30: {  	s3 =	sld [smem:$0x3FB1]  }
0x31: {  	[smem:$0x3FBA] =	sst s10  }
0x32: {  	s10 =	sld [smem:$0x3FB8];
	_ =	sdelay $0x3  }
0x33: {  	p0 =	seq.s32 s10, $0x1;
	s10 =	sld [smem:$0x3FBA];
	_ =	sdelay $0x3  }
0x34: {  	[smem:$0x3FBA] =	sst s10  }
0x35: {  	s10 =	sld [smem:$0x3FB9];
	_ =	sdelay $0x3  }
0x36: {  	p1 =	seq.s32 s10, $0x1;
	s10 =	sld [smem:$0x3FBA];
	_ =	sdelay $0x3  }
0x37: {  	[smem:$0x3FBA] =	sst s10  }
0x38: {  	s10 =	sld [smem:$0x3FBB]  }
0x39: {  	_ = 	snop;
	(pc) =	sbr.ind lr, $3  }
0x3a: {  	_ = 	snop  }
0x3b: {  	_ = 	snop  }
0x3c: {  	p2 =	seq.s32 s10, $0x1;
	s10 =	sld [smem:$0x3FBA]  }
0x3d: {  	_ =	shalt  }
0x3e: {  	_ =	shalt  }
0x3f: {  	_ =	shalt  }
0x40: {  	_ =	shalt  }
0x41: {  	_ =	shalt  }
0x42: {  	_ =	shalt  }
0x43: {  	_ =	shalt  }
0x44: {  	_ =	shalt  }
0x45: {  	_ =	shalt  }
0x46: {  	_ =	shalt  }
0x47: {  	_ =	shalt  }
0x48: {  	_ =	shalt  }
0x49: {  	_ =	shalt  }
0x4a: {  	_ =	shalt  }
0x4b: {  	_ =	shalt  }
0x4c: {  	_ =	shalt  }
0x4d: {  	_ =	shalt  }
0x4e: {  	_ =	shalt  }
0x4f: {  	_ =	shalt  }
0x50: {  	_ =	shalt  }
0x51: {  	_ =	shalt  }
0x52: {  	_ =	shalt  }
0x53: {  	_ =	shalt  }
0x54: {  	_ =	shalt  }
0x55: {  	_ =	shalt  }
0x56: {  	_ =	shalt  }
0x57: {  	_ =	shalt  }
0x58: {  	_ =	shalt  }
0x59: {  	_ =	shalt  }
0x5a: {  	_ =	shalt  }
0x5b: {  	_ =	shalt  }
0x5c: {  	_ =	shalt  }
0x5d: {  	_ =	shalt  }
0x5e: {  	_ =	shalt  }
0x5f: {  	_ =	shalt  }
0x60: {  	_ =	shalt  }
0x61: {  	_ =	shalt  }
0x62: {  	_ =	shalt  }
0x63: {  	_ =	shalt  }
0x64: {  	_ =	shalt  }
0x65: {  	_ =	shalt  }
0x66: {  	_ =	shalt  }
0x67: {  	_ =	shalt  }
0x68: {  	_ =	shalt  }
0x69: {  	_ =	shalt  }
0x6a: {  	_ =	shalt  }
0x6b: {  	_ =	shalt  }
0x6c: {  	_ =	shalt  }
0x6d: {  	_ =	shalt  }
0x6e: {  	_ =	shalt  }
0x6f: {  	_ =	shalt  }
0x70: {  	_ =	shalt  }
0x71: {  	_ =	shalt  }
0x72: {  	_ =	shalt  }
0x73: {  	_ =	shalt  }
0x74: {  	_ =	shalt  }
0x75: {  	_ =	shalt  }
0x76: {  	_ =	shalt  }
0x77: {  	_ =	shalt  }
0x78: {  	_ =	shalt  }
0x79: {  	_ =	shalt  }
0x7a: {  	_ =	shalt  }
0x7b: {  	_ =	shalt  }
0x7c: {  	_ =	shalt  }
0x7d: {  	_ =	shalt  }
0x7e: {  	_ =	shalt  }
0x7f: {  	_ =	shalt  }
0x80: {  	_ =	shalt  }
0x81: {  	_ =	shalt  }
0x82: {  	_ =	shalt  }
0x83: {  	_ =	shalt  }
0x84: {  	_ =	shalt  }
0x85: {  	_ =	shalt  }
0x86: {  	_ =	shalt  }
0x87: {  	_ =	shalt  }
.Lfunc_end0:
.L_simem_size_0:
called_computation.1_lowered:
.L_overlay_start_0:
0x88: {  	s2 =	sld [smem:$0x3FD9]  }
0x89: {  	s3 =	sld [smem:$0x3FFE];
	_ =	sdelay $0x1  }
0x8a: {  	s1 =	srdreg.scid  }
0x8b: {  	s0 =	sand.u32 $0x1, s1  }
0x8c: {  	s17 =	sshll.u32 s0, $0xA;
	s2 =	sadd.s32 s3, s2  }
0x8d: {  	s2 =	sadd.s32 s2, s17  }
0x8e: {  	[smem:$0x3FC6] =	sst s2  }
0x8f: {  	_ = 	snop  }
0x90: {  	s2 =	sld [smem:$0x3FD0];
	(tm) =	ssettm $0x1  }
0x91: {  	s18 =	sld [smem:$0x3FFB];
	_ =	sdelay $0x3  }
0x92: {  	_ =	strace s18  }
0x93: {  	s3 =	sld [smem:$0x3FFC];
	_ =	sdelay $0x3  }
0x94: {  	_ =	strace s3  }
0x95: {  	s3 =	sld [smem:$0x3FFD];
	_ =	sdelay $0x3  }
0x96: {  	_ =	strace s3  }
0x97: {  	_ =	strace $0x8FFFFFFF  }
0x98: {  	s19 =	sld [smem:$0x3FDB];
	_ =	sdelay $0x1  }
0x99: {  	s4 =	simm.s32 $_scs_section_size  }
0x9a: {  	s5 =	simm.s32 $_size__tile_overlayer_lowered;
	s6 =	simm.s32 $_tile_overlayer_lowered  }
0x9b: {  	s22 =	simm.s32 $0x1BFF;
	s21 =	sshll.u32 s6, $0x1;
	s3 =	sadd.s32 s4, s19  }
0x9c: {  	s7 =	simm.s32 $0x0;
	s20 =	sshll.u32 s5, $0x1;
	s5 =	sadd.s32 s21, s3  }
0x9d: {  	[timem:s7], [sflag:s22] =	dma.local [hbm:s5], s20  }
0x9e: {  	_ =	swait.ge [sflag:s22], s20  }
0x9f: {  	s4 =	ssub.s32 $0x0, s20;
	[sflag:s22] =	ssyncset.done $0x0  }
0xa0: {  	[sflag:s22] =	ssyncadd.s32 s4;
	_ =	sdelay $0x1  }
0xa1: {  	s23 =	simm.s32 $0x1B8B  }
0xa2: {  	_ =	swait.ge [sflag:s23], $0x1  }
0xa3: {  	[sflag:s23] =	ssyncset.done $0x0  }
0xa4: {  	s25 =	simm.s32 $0x1B8E;
	s24 =	sld [smem:$0x3FFE];
	[sflag:s23] =	ssyncadd.s32 $0xFFFFFFFF  }
0xa5: {  	s26 =	simm.s32 $execute0_lowered;
	[smem:$0x3FD2] =	sst s25  }
0xa6: {  	s5 =	sshll.u32 s26, $0x1;
	_ =	strace $0x80000046;
	[dreg:$0x1] =	wrdreg $0xFFFFFFFF  }
0xa7: {  	s28 =	simm.s32 $_size_execute0_lowered;
	s3 =	sadd.s32 s3, s5;
	[dreg:$0x0] =	wrdreg $0x0  }
0xa8: {  	s5 =	sshll.u32 s28, $0x1;
	[dreg:$0x2] =	wrdreg s3  }
0xa9: {  	[dreg:$0x3] =	wrdreg s5  }
0xaa: {  	[dreg:$0x4] =	wrdreg $0xC0  }
0xab: {  	_ =	task [dreg:s7], $0x5FFFF  }
0xac: {  	[dreg:$0x1] =	wrdreg $0xFFFFFFFF  }
0xad: {  	[dreg:$0x0] =	wrdreg $0x60  }
0xae: {  	[dreg:$0x2] =	wrdreg s24  }
0xaf: {  	[dreg:$0x3] =	wrdreg s2  }
0xb0: {  	[dreg:$0x4] =	wrdreg $0x9  }
0xb1: {  	_ =	task.clear_ibuf [dreg:s7], $0x5FFFF;
	_ =	strace $0x90000046  }
0xb2: {  	s29 =	simm.s32 $0x9;
	_ =	strace $0x80000048  }
0xb3: {  	_ =	swait.ge [sflag:s29], $0x1  }
0xb4: {  	[sflag:s29] =	ssyncadd.s32 $0xFFFFFFFF  }
0xb5: {  	_ =	strace $0x90000048  }
0xb6: {  	_ =	sfence  }
0xb7: {  	s30 =	sld [smem:$0x0];
	_ =	sdelay $0x2  }
0xb8: {  	s31 =	sshll.u32 s1, $0xD;
	s1 =	sshrl.u32 s1, $0x2  }
0xb9: {  	s3 =	sand.u32 $0x4000, s31;
	s1 =	sadd.s32 s1, s30  }
0xba: {  	s0 =	sor.u32 s3, s0;
	s1 =	sshll.u32 s1, $0x11  }
0xbb: {  	s0 =	sor.u32 s1, s0  }
0xbc: {  	s0 =	sadd.s32 $0x8F2B, s0  }
0xbd: {  	[sflag:s0] =	ssyncadd.remote.s32 $0x1  }
0xbe: {  	_ =	sfence.sel $0xFFFF  }
0xbf: {  	[dreg:$0x0] =	wrdreg $0xFFFFFFFF;
	(pc) =	sbr.abs _section_cstart, $3  }
0xc0: {  	[dreg:$0x1] =	wrdreg $0xFFFFFFFF  }
0xc1: {  	_ =	task.clear_ibuf [dreg:s7], $0x2FFFF;
	_ =	strace $0x9FFFFFFF  }
0xc2: {  	(tm) =	ssettm $0x7FFFFFFF  }
0xc3: {  	_ =	shalt  }
tec
execute0_lowered:
.L_overlay_start_1:
0x0: {  	(tag) =	ssettag $0x1  }
0x1: {  	s0 =	rddreg [dreg:$0x0];
	s1 =	simm.s32 $0x0  }
0x2: {  	s25 =	srdreg.scid;
	s5 =	stileid.u32;
	s8 =	simm.s32 $0x2  }
0x3: {  	s9 =	simm.s32 $0x32;
	s10 =	simm.s32 $0x380;
	s22 =	simm.s32 $0x2900  }
0x4: {  	s23 =	simm.s32 $0x188;
	s24 =	simm.s32 $0x2F40;
	s28 =	simm.s32 $0x1F8  }
0x5: {  	s29 =	simm.s32 $0x3BC0;
	s30 =	simm.s32 $0x230;
	s31 =	simm.s32 $0x4200  }
0x6: {  	s7 =	simm.s32 $0x2A0;
	s11 =	simm.s32 $0x54C0;
	s12 =	simm.s32 $0x310  }
0x7: {  	s13 =	simm.s32 $0x5B00;
	s14 =	simm.s32 $0x348;
	s15 =	simm.s32 $0x6140  }
0x8: {  	s16 =	simm.s32 $0x1;
	s18 =	simm.s32 $0x0;
	[smem:$0x7FF] =	sst s1  }
0x9: {  	s1 =	sand.u32 $0x1, s25;
	s4 =	sadd.s32 $0xA00, s0;
	s6 =	sshll.u32 s5, $0xA  }
0xa: {  	s5 =	sadd.s32 $0xF42E00, s0;
	s25 =	simm.s32 $0x1C0;
	s2 =	ssub.s32 $0x2, s1  }
0xb: {  	_ =	strace $0x80000047;
	s1 =	sshll.u32 s1, $0x9;
	s3 =	sshrl.u32 s2, $0x1  }
0xc: {  	s6 =	sor.u32 s1, s6;
	s1 =	simm.s32 $0x4E80;
	s26 =	ssub.s32 s2, s3  }
0xd: {  	s3 =	simm.s32 $0x4840;
	s2 =	simm.s32 $0x2D8;
	s0 =	smax.u32 s26, $0x1  }
0xe: {  	s26 =	simm.s32 $0x3580;
	[dreg:$0x3] =	wrdreg s0;
	s0 =	simm.s32 $0x268  }
.LBB2_1:
0xf: {  	[dreg:$0x4] =	wrdreg s18;
	s17 =	simm.s32 $0x0  }
.LBB2_2:
0x10: {  	s18 =	sshll.u32 s17, $0x4  }
0x11: {  	s18 =	sadd.s32 s6, s18  }
0x12: {  	s19 =	smul.u32 $0x7, s18;
	_ =	sdelay $0x1  }
0x13: {  	s20 =	simm.s32 $0x0;
	s19 =	sadd.s32 s4, s19  }
0x14: {  	[tilespmem:s20], [sflag:$0x2] =	stream.linear.gather [hbm4b:s19+s20], $0x380, $0x38;
	[tilespmem:$0x6780] =	vst v63  }
0x15: {  	_ =	swait.ge [sflag:s8], $0x380  }
0x16: {  	[sflag:s8] =	ssyncset.done $0x0  }
0x17: {  	[sflag:s8] =	ssyncadd.s32 $0xFFFFFC80  }
0x18: {  	[tilespmem:s10], [sflag:$0x1] =	stream.indirect.gather [hbm4b:s5+s9], $0x20, s20, s9, $0xb8;
	[tilespmem:$0x6780] =	vst v63  }
0x19: {  	s21 =	simm.s32 $0x9C0;
	s20 =	simm.s32 $0x38  }
0x1a: {  	[tilespmem:s21], [sflag:$0x1] =	stream.indirect.gather [hbm4b:s5+s9], $0x20, s20, s9, $0xb8;
	[tilespmem:$0x6780] =	vst v63  }
0x1b: {  	s20 =	simm.s32 $0x70;
	s21 =	simm.s32 $0x1000  }
0x1c: {  	[tilespmem:s21], [sflag:$0x1] =	stream.indirect.gather [hbm4b:s5+s9], $0x20, s20, s9, $0xb8;
	[tilespmem:$0x6780] =	vst v63  }
0x1d: {  	s20 =	simm.s32 $0xA8;
	s21 =	simm.s32 $0x1640  }
0x1e: {  	[tilespmem:s21], [sflag:$0x1] =	stream.indirect.gather [hbm4b:s5+s9], $0x20, s20, s9, $0xb8;
	[tilespmem:$0x6780] =	vst v63  }
0x1f: {  	s20 =	simm.s32 $0xE0;
	s21 =	simm.s32 $0x1C80  }
0x20: {  	[tilespmem:s21], [sflag:$0x1] =	stream.indirect.gather [hbm4b:s5+s9], $0x20, s20, s9, $0xb8;
	[tilespmem:$0x6780] =	vst v63  }
0x21: {  	s20 =	simm.s32 $0x118;
	s21 =	simm.s32 $0x22C0  }
0x22: {  	[tilespmem:s21], [sflag:$0x1] =	stream.indirect.gather [hbm4b:s5+s9], $0x20, s20, s9, $0xb8;
	[tilespmem:$0x6780] =	vst v63  }
0x23: {  	s21 =	simm.s32 $0x150  }
0x24: {  	[tilespmem:s22], [sflag:$0x1] =	stream.indirect.gather [hbm4b:s5+s9], $0x20, s21, s9, $0xb8;
	[tilespmem:$0x6780] =	vst v63  }
0x25: {  	_ = 	snop  }
0x26: {  	[tilespmem:s24], [sflag:$0x1] =	stream.indirect.gather [hbm4b:s5+s9], $0x20, s23, s9, $0xb8;
	[tilespmem:$0x6780] =	vst v63  }
0x27: {  	_ = 	snop  }
0x28: {  	[tilespmem:s26], [sflag:$0x1] =	stream.indirect.gather [hbm4b:s5+s9], $0x20, s25, s9, $0xb8;
	[tilespmem:$0x6780] =	vst v63  }
0x29: {  	_ = 	snop  }
0x2a: {  	[tilespmem:s29], [sflag:$0x1] =	stream.indirect.gather [hbm4b:s5+s9], $0x20, s28, s9, $0xb8;
	[tilespmem:$0x6780] =	vst v63  }
0x2b: {  	_ = 	snop  }
0x2c: {  	[tilespmem:s31], [sflag:$0x1] =	stream.indirect.gather [hbm4b:s5+s9], $0x20, s30, s9, $0xb8;
	[tilespmem:$0x6780] =	vst v63  }
0x2d: {  	_ = 	snop  }
0x2e: {  	[tilespmem:s3], [sflag:$0x1] =	stream.indirect.gather [hbm4b:s5+s9], $0x20, s0, s9, $0xb8;
	[tilespmem:$0x6780] =	vst v63  }
0x2f: {  	_ = 	snop  }
0x30: {  	[tilespmem:s1], [sflag:$0x1] =	stream.indirect.gather [hbm4b:s5+s9], $0x20, s7, s9, $0xb8;
	[tilespmem:$0x6780] =	vst v63  }
0x31: {  	_ = 	snop  }
0x32: {  	[tilespmem:s11], [sflag:$0x1] =	stream.indirect.gather [hbm4b:s5+s9], $0x20, s2, s9, $0xb8;
	[tilespmem:$0x6780] =	vst v63  }
0x33: {  	_ = 	snop  }
0x34: {  	[tilespmem:s13], [sflag:$0x1] =	stream.indirect.gather [hbm4b:s5+s9], $0x20, s12, s9, $0xb8;
	[tilespmem:$0x6780] =	vst v63  }
0x35: {  	_ = 	snop  }
0x36: {  	[tilespmem:s15], [sflag:$0x1] =	stream.indirect.gather [hbm4b:s5+s9], $0x20, s14, s9, $0xb8;
	[tilespmem:$0x6780] =	vst v63  }
0x37: {  	_ =	swait.ge [sflag:s16], $0x640  }
0x38: {  	[sflag:s16] =	ssyncset.done $0x0  }
0x39: {  	[sflag:s16] =	ssyncadd.s32 $0xFFFFF9C0  }
0x3a: {  	_ =	swait.ge [sflag:s16], $0x640  }
0x3b: {  	[sflag:s16] =	ssyncset.done $0x0  }
0x3c: {  	[sflag:s16] =	ssyncadd.s32 $0xFFFFF9C0  }
0x3d: {  	_ =	swait.ge [sflag:s16], $0x640  }
0x3e: {  	[sflag:s16] =	ssyncset.done $0x0  }
0x3f: {  	[sflag:s16] =	ssyncadd.s32 $0xFFFFF9C0  }
0x40: {  	_ =	swait.ge [sflag:s16], $0x640  }
0x41: {  	[sflag:s16] =	ssyncset.done $0x0  }
0x42: {  	[sflag:s16] =	ssyncadd.s32 $0xFFFFF9C0  }
0x43: {  	_ =	swait.ge [sflag:s16], $0x640  }
0x44: {  	[sflag:s16] =	ssyncset.done $0x0  }
0x45: {  	[sflag:s16] =	ssyncadd.s32 $0xFFFFF9C0  }
0x46: {  	_ =	swait.ge [sflag:s16], $0x640  }
0x47: {  	[sflag:s16] =	ssyncset.done $0x0  }
0x48: {  	[sflag:s16] =	ssyncadd.s32 $0xFFFFF9C0  }
0x49: {  	_ =	swait.ge [sflag:s16], $0x640  }
0x4a: {  	[sflag:s16] =	ssyncset.done $0x0  }
0x4b: {  	[sflag:s16] =	ssyncadd.s32 $0xFFFFF9C0  }
0x4c: {  	_ =	swait.ge [sflag:s16], $0x640  }
0x4d: {  	[sflag:s16] =	ssyncset.done $0x0  }
0x4e: {  	[sflag:s16] =	ssyncadd.s32 $0xFFFFF9C0  }
0x4f: {  	_ =	swait.ge [sflag:s16], $0x640  }
0x50: {  	[sflag:s16] =	ssyncset.done $0x0  }
0x51: {  	[sflag:s16] =	ssyncadd.s32 $0xFFFFF9C0  }
0x52: {  	_ =	swait.ge [sflag:s16], $0x640  }
0x53: {  	[sflag:s16] =	ssyncset.done $0x0  }
0x54: {  	[sflag:s16] =	ssyncadd.s32 $0xFFFFF9C0  }
0x55: {  	_ =	swait.ge [sflag:s16], $0x640  }
0x56: {  	[sflag:s16] =	ssyncset.done $0x0  }
0x57: {  	[sflag:s16] =	ssyncadd.s32 $0xFFFFF9C0  }
0x58: {  	_ =	swait.ge [sflag:s16], $0x640  }
0x59: {  	[sflag:s16] =	ssyncset.done $0x0  }
0x5a: {  	[sflag:s16] =	ssyncadd.s32 $0xFFFFF9C0  }
0x5b: {  	_ =	swait.ge [sflag:s16], $0x640  }
0x5c: {  	[sflag:s16] =	ssyncset.done $0x0  }
0x5d: {  	[sflag:s16] =	ssyncadd.s32 $0xFFFFF9C0  }
0x5e: {  	_ =	swait.ge [sflag:s16], $0x640  }
0x5f: {  	[sflag:s16] =	ssyncset.done $0x0  }
0x60: {  	[sflag:s16] =	ssyncadd.s32 $0xFFFFF9C0  }
0x61: {  	_ =	swait.ge [sflag:s16], $0x640  }
0x62: {  	[sflag:s16] =	ssyncset.done $0x0  }
0x63: {  	[sflag:s16] =	ssyncadd.s32 $0xFFFFF9C0  }
0x64: {  	_ =	swait.ge [sflag:s16], $0x640  }
0x65: {  	[sflag:s16] =	ssyncset.done $0x0  }
0x66: {  	s19 =	simm.s32 $0x0;
	[sflag:s16] =	ssyncadd.s32 $0xFFFFF9C0  }
0x67: {  	v0 =	vld [tilespmem:s19+$0x380]  }
0x68: {  	v1 =	vld [tilespmem:s19+$0x390]  }
0x69: {  	v2 =	vld [tilespmem:s19+$0x9C0]  }
0x6a: {  	v3 =	vld [tilespmem:s19+$0x9D0]  }
0x6b: {  	v4 =	vld [tilespmem:s19+$0x1000]  }
0x6c: {  	v5 =	vld [tilespmem:s19+$0x1010];
	v0 =	vmul.f32 $5.656854150e+00, v0  }
0x6d: {  	v6 =	vld [tilespmem:s19+$0x1640];
	v1 =	vmul.f32 $5.656854150e+00, v1  }
0x6e: {  	v2 =	vmul.f32 $5.656854150e+00, v2;
	[tilespmem:s19+$0x380] =	vst v0;
	v0 =	vld [tilespmem:s19+$0x1650]  }
0x6f: {  	v3 =	vmul.f32 $5.656854150e+00, v3;
	[tilespmem:s19+$0x390] =	vst v1;
	v1 =	vld [tilespmem:s19+$0x1C80]  }
0x70: {  	v4 =	vmul.f32 $5.656854150e+00, v4;
	[tilespmem:s19+$0x9C0] =	vst v2;
	v2 =	vld [tilespmem:s19+$0x1C90]  }
0x71: {  	v5 =	vmul.f32 $5.656854150e+00, v5;
	[tilespmem:s19+$0x9D0] =	vst v3;
	v3 =	vld [tilespmem:s19+$0x22C0]  }
0x72: {  	v6 =	vmul.f32 $5.656854150e+00, v6;
	[tilespmem:s19+$0x1000] =	vst v4;
	v4 =	vld [tilespmem:s19+$0x22D0]  }
0x73: {  	[tilespmem:s19+$0x1010] =	vst v5;
	v5 =	vld [tilespmem:s19+$0x2900];
	v0 =	vmul.f32 $5.656854150e+00, v0  }
0x74: {  	[tilespmem:s19+$0x1640] =	vst v6;
	v6 =	vld [tilespmem:s19+$0x2910];
	v1 =	vmul.f32 $5.656854150e+00, v1  }
0x75: {  	v2 =	vmul.f32 $5.656854150e+00, v2;
	[tilespmem:s19+$0x1650] =	vst v0;
	v0 =	vld [tilespmem:s19+$0x2F40]  }
0x76: {  	v3 =	vmul.f32 $5.656854150e+00, v3;
	[tilespmem:s19+$0x1C80] =	vst v1;
	v1 =	vld [tilespmem:s19+$0x2F50]  }
0x77: {  	v4 =	vmul.f32 $5.656854150e+00, v4;
	[tilespmem:s19+$0x1C90] =	vst v2;
	v2 =	vld [tilespmem:s19+$0x3580]  }
0x78: {  	v5 =	vmul.f32 $5.656854150e+00, v5;
	[tilespmem:s19+$0x22C0] =	vst v3;
	v3 =	vld [tilespmem:s19+$0x3590]  }
0x79: {  	v6 =	vmul.f32 $5.656854150e+00, v6;
	[tilespmem:s19+$0x22D0] =	vst v4;
	v4 =	vld [tilespmem:s19+$0x3BC0]  }
0x7a: {  	[tilespmem:s19+$0x2900] =	vst v5;
	v5 =	vld [tilespmem:s19+$0x3BD0];
	v0 =	vmul.f32 $5.656854150e+00, v0  }
0x7b: {  	[tilespmem:s19+$0x2910] =	vst v6;
	v6 =	vld [tilespmem:s19+$0x4200]  }
0x7c: {  	v1 =	vmul.f32 $5.656854150e+00, v1;
	[tilespmem:s19+$0x2F40] =	vst v0;
	v0 =	vld [tilespmem:s19+$0x4210]  }
0x7d: {  	v2 =	vmul.f32 $5.656854150e+00, v2  }
0x7e: {  	[tilespmem:s19+$0x2F50] =	vst v1;
	v1 =	vmul.f32 $5.656854150e+00, v3;
	v3 =	vld [tilespmem:s19+$0x4850]  }
0x7f: {  	v7 =	vld [tilespmem:s19+$0x4840];
	[tilespmem:s19+$0x3580] =	vst v2;
	v2 =	vmul.f32 $5.656854150e+00, v4  }
0x80: {  	v4 =	vld [tilespmem:s19+$0x4E80];
	[tilespmem:s19+$0x3590] =	vst v1;
	v1 =	vmul.f32 $5.656854150e+00, v5  }
0x81: {  	[tilespmem:s19+$0x3BC0] =	vst v2;
	v5 =	vld [tilespmem:s19+$0x4E90];
	v2 =	vmul.f32 $5.656854150e+00, v6;
	v6 =	vmul.f32 $5.656854150e+00, v0  }
0x82: {  	[tilespmem:s19+$0x3BD0] =	vst v1;
	v1 =	vld [tilespmem:s19+$0x54C0]  }
0x83: {  	v0 =	vld [tilespmem:s19+$0x54D0];
	[tilespmem:s19+$0x4210] =	vst v6;
	v6 =	vmul.f32 $5.656854150e+00, v3  }
0x84: {  	v7 =	vmul.f32 $5.656854150e+00, v7;
	[tilespmem:s19+$0x4200] =	vst v2;
	v2 =	vld [tilespmem:s19+$0x5B00]  }
0x85: {  	v3 =	vld [tilespmem:s19+$0x5B10];
	[tilespmem:s19+$0x4850] =	vst v6;
	v6 =	vmul.f32 $5.656854150e+00, v4  }
0x86: {  	s20 =	simm.s32 $0x80;
	[tilespmem:s19+$0x4840] =	vst v7;
	v5 =	vmul.f32 $5.656854150e+00, v5;
	v4 =	vld [tilespmem:s19+$0x6140]  }
.LBB2_3:
0x87: {  	s21 =	sshra.s32 s20, $0x2;
	p0 =	sne.s32 s20, $0x1880;
	[tilespmem:s19+$0x4E80] =	vst v6;
	v1 =	vmul.f32 $5.656854150e+00, v1;
	v6 =	vld [tilespmem:s19+$0x6150]  }
0x88: {  	v7 =	vld [tilespmem:s21+$0x380];
	[tilespmem:s19+$0x4E90] =	vst v5;
	v0 =	vmul.f32 $5.656854150e+00, v0  }
0x89: {  	v5 =	vld [tilespmem:s21+$0x390];
	[tilespmem:s19+$0x54C0] =	vst v1;
	v1 =	vmul.f32 $5.656854150e+00, v2  }
0x8a: {  	v2 =	vld [tilespmem:s21+$0x9C0];
	[tilespmem:s19+$0x54D0] =	vst v0;
	v0 =	vmul.f32 $5.656854150e+00, v3  }
0x8b: {  	v3 =	vld [tilespmem:s21+$0x9D0];
	[tilespmem:s19+$0x5B00] =	vst v1;
	v1 =	vmul.f32 $5.656854150e+00, v4  }
0x8c: {  	v4 =	vld [tilespmem:s21+$0x1000];
	[tilespmem:s19+$0x5B10] =	vst v0;
	v0 =	vmul.f32 $5.656854150e+00, v6  }
0x8d: {  	v6 =	vmul.f32 $5.656854150e+00, v7;
	v7 =	vld [tilespmem:s21+$0x1010];
	[tilespmem:s19+$0x6140] =	vst v1  }
0x8e: {  	v1 =	vmul.f32 $5.656854150e+00, v5;
	v5 =	vld [tilespmem:s21+$0x1640];
	[tilespmem:s19+$0x6150] =	vst v0;
	s19 =	smov.u32 s21  }
0x8f: {  	[tilespmem:s19+$0x380] =	vst v6;
	v0 =	vmul.f32 $5.656854150e+00, v2;
	v2 =	vld [tilespmem:s19+$0x1650]  }
0x90: {  	[tilespmem:s19+$0x390] =	vst v1;
	v1 =	vmul.f32 $5.656854150e+00, v3;
	v3 =	vld [tilespmem:s19+$0x1C80]  }
0x91: {  	[tilespmem:s19+$0x9C0] =	vst v0;
	v0 =	vmul.f32 $5.656854150e+00, v4;
	v4 =	vld [tilespmem:s19+$0x1C90]  }
0x92: {  	[tilespmem:s19+$0x9D0] =	vst v1;
	v1 =	vmul.f32 $5.656854150e+00, v7;
	v6 =	vld [tilespmem:s19+$0x22C0]  }
0x93: {  	[tilespmem:s19+$0x1000] =	vst v0;
	v0 =	vmul.f32 $5.656854150e+00, v5;
	v5 =	vld [tilespmem:s19+$0x22D0]  }
0x94: {  	[tilespmem:s19+$0x1010] =	vst v1;
	v1 =	vmul.f32 $5.656854150e+00, v2;
	v2 =	vld [tilespmem:s19+$0x2900]  }
0x95: {  	[tilespmem:s19+$0x1640] =	vst v0;
	v0 =	vmul.f32 $5.656854150e+00, v3;
	v3 =	vld [tilespmem:s19+$0x2910]  }
0x96: {  	[tilespmem:s19+$0x1650] =	vst v1;
	v1 =	vmul.f32 $5.656854150e+00, v4;
	v4 =	vld [tilespmem:s19+$0x2F40]  }
0x97: {  	[tilespmem:s19+$0x1C80] =	vst v0;
	v0 =	vmul.f32 $5.656854150e+00, v6;
	v6 =	vld [tilespmem:s19+$0x2F50]  }
0x98: {  	[tilespmem:s19+$0x1C90] =	vst v1;
	v1 =	vmul.f32 $5.656854150e+00, v5;
	v5 =	vld [tilespmem:s19+$0x3580]  }
0x99: {  	[tilespmem:s19+$0x22C0] =	vst v0;
	v0 =	vmul.f32 $5.656854150e+00, v2;
	v2 =	vld [tilespmem:s19+$0x3590]  }
0x9a: {  	[tilespmem:s19+$0x22D0] =	vst v1;
	v1 =	vmul.f32 $5.656854150e+00, v3;
	v3 =	vld [tilespmem:s19+$0x3BC0]  }
0x9b: {  	[tilespmem:s19+$0x2900] =	vst v0;
	v0 =	vmul.f32 $5.656854150e+00, v4;
	v4 =	vld [tilespmem:s19+$0x3BD0]  }
0x9c: {  	[tilespmem:s19+$0x2910] =	vst v1;
	v1 =	vmul.f32 $5.656854150e+00, v6;
	v6 =	vld [tilespmem:s19+$0x4200]  }
0x9d: {  	[tilespmem:s19+$0x2F40] =	vst v0;
	v0 =	vmul.f32 $5.656854150e+00, v5;
	v5 =	vld [tilespmem:s19+$0x4210]  }
0x9e: {  	[tilespmem:s19+$0x2F50] =	vst v1;
	v1 =	vmul.f32 $5.656854150e+00, v2;
	v2 =	vld [tilespmem:s19+$0x4840]  }
0x9f: {  	[tilespmem:s19+$0x3580] =	vst v0;
	v0 =	vmul.f32 $5.656854150e+00, v3;
	v3 =	vld [tilespmem:s19+$0x4850]  }
0xa0: {  	[tilespmem:s19+$0x3590] =	vst v1;
	v1 =	vmul.f32 $5.656854150e+00, v4;
	v4 =	vld [tilespmem:s19+$0x4E80]  }
0xa1: {  	[tilespmem:s19+$0x3BC0] =	vst v0;
	v0 =	vmul.f32 $5.656854150e+00, v6;
	v7 =	vld [tilespmem:s19+$0x4E90]  }
.Ltmp0:
0xa2: {  	[tilespmem:s19+$0x3BD0] =	vst v1;
	v5 =	vmul.f32 $5.656854150e+00, v5;
	v1 =	vld [tilespmem:s19+$0x54C0];
	(pc) =	sbr.rel @p0 .LBB2_3-.Ltmp0, $4  }
0xa3: {  	[tilespmem:s19+$0x4200] =	vst v0;
	v6 =	vmul.f32 $5.656854150e+00, v2;
	v0 =	vld [tilespmem:s19+$0x54D0]  }
0xa4: {  	[tilespmem:s19+$0x4210] =	vst v5;
	v5 =	vmul.f32 $5.656854150e+00, v3;
	v2 =	vld [tilespmem:s19+$0x5B00]  }
0xa5: {  	[tilespmem:s19+$0x4840] =	vst v6;
	v6 =	vmul.f32 $5.656854150e+00, v4;
	v3 =	vld [tilespmem:s19+$0x5B10]  }
0xa6: {  	s20 =	sadd.s32 $0x80, s20;
	[tilespmem:s19+$0x4850] =	vst v5;
	v5 =	vmul.f32 $5.656854150e+00, v7;
	v4 =	vld [tilespmem:s19+$0x6140]  }
0xa7: {  	[tilespmem:s19+$0x4E80] =	vst v6;
	v1 =	vmul.f32 $5.656854150e+00, v1;
	v59 =	vld [tilespmem:s19+$0x6150]  }
0xa8: {  	[tilespmem:s19+$0x4E90] =	vst v5;
	v0 =	vmul.f32 $5.656854150e+00, v0  }
0xa9: {  	[tilespmem:s19+$0x54C0] =	vst v1;
	v60 =	vmul.f32 $5.656854150e+00, v2  }
0xaa: {  	[tilespmem:s19+$0x54D0] =	vst v0;
	v61 =	vmul.f32 $5.656854150e+00, v3  }
0xab: {  	[tilespmem:s19+$0x5B00] =	vst v60;
	v62 =	vmul.f32 $5.656854150e+00, v4  }
0xac: {  	s18 =	smul.u32 $0xC8, s18;
	s17 =	sadd.s32 $0x1, s17;
	[tilespmem:s19+$0x5B10] =	vst v61;
	v63 =	vmul.f32 $5.656854150e+00, v59  }
0xad: {  	s20 =	rddreg [dreg:$0x1];
	p0 =	sne.s32 s17, $0x20;
	[tilespmem:s19+$0x6140] =	vst v62  }
.Ltmp1:
0xae: {  	s21 =	simm.s32 $0x0;
	s18 =	sadd.s32 s20, s18;
	[tilespmem:s19+$0x6150] =	vst v63;
	(pc) =	sbr.rel @p0 .LBB2_2-.Ltmp1, $4  }
0xaf: {  	[hbm4b:s18+s21] =	stream.linear.scatter [tilespmem:s10], [sflag:$0x2], $0x6400, $0x38;
	[tilespmem:$0x6780] =	vst v63  }
0xb0: {  	_ =	swait.ge [sflag:s8], $0x6400  }
0xb1: {  	[sflag:s8] =	ssyncset.done $0x0  }
0xb2: {  	[sflag:s8] =	ssyncadd.s32 $0xFFFF9C00  }
0xb3: {  	s18 =	rddreg [dreg:$0x4]  }
0xb4: {  	s17 =	rddreg [dreg:$0x3];
	s18 =	sadd.s32 $0x1, s18  }
0xb5: {  	p0 =	sne.s32 s18, s17  }
.Ltmp2:
0xb6: {  	_ = 	snop;
	(pc) =	sbr.rel @p0 .LBB2_1-.Ltmp2, $1  }
0xb7: {  	_ =	sdelay $0x3  }
0xb8: {  	_ =	sfence.sel $0x180000  }
0xb9: {  	[bflag:$0x0] =	sbarrier.arrive $0xFFFF  }
0xba: {  	_ =	strace $0x90000047  }
0xbb: {  	s0 =	stileid.u32;
	[bflag:$0x2] =	sbarrier.arrive $0xFFFF  }
0xbc: {  	p0 =	sne.s32 s0, $0x0;
	s0 =	rddreg [dreg:$0x2]  }
0xbd: {  	s0 =	sadd.s32 @!p0 $0x100000, s0  }
0xbe: {  	[sflag:s0] =	ssyncadd.tile.s32 @!p0 $0x1;
	_ =	shalt  }
.Lfunc_end2:
_tile_overlayer_lowered:
.L_overlay_start_2:
0xbf: {  	(tag) =	ssettag $0x2  }
0xc0: {  	s0 =	rddreg [dreg:$0x0];
	s2 =	stileid.u32  }
0xc1: {  	s1 =	rddreg [dreg:$0x1];
	p0 =	sne.s32 s2, $0x0  }
0xc2: {  	s3 =	rddreg [dreg:$0x2];
	[bflag:$0x3] =	sbarrier.arrive $0xFFFF;
	s2 =	simm.s32 @!p0 $0x1C02  }
0xc3: {  	[timem:s3], [sflag:s2] =	dma.local @!p0 [hbm:s0], s1  }
0xc4: {  	s0 =	simm.s32 @!p0 $0x2  }
0xc5: {  	_ =	swait.ge @!p0 [sflag:s0], s1  }
0xc6: {  	s1 =	ssub.s32 @!p0 $0x0, s1;
	[sflag:s0] =	ssyncset.done @!p0 $0x0  }
0xc7: {  	[sflag:s0] =	ssyncadd.s32 @!p0 s1  }
0xc8: {  	[bflag:$0x3] =	sbarrier.arrive $0xFFFF  }
0xc9: {  	_ =	shalt  }

// kernel: sparse-core-data-format-call.cloned.1.call-start
scs
called_computation_lowered:
.L_overlay_start_0:
0x0: {  	s2 =	sld [smem:$0x3FD9]  }
0x1: {  	s3 =	sld [smem:$0x3FFE];
	_ =	sdelay $0x1  }
0x2: {  	s1 =	srdreg.scid  }
0x3: {  	s0 =	sand.u32 $0x1, s1  }
0x4: {  	s18 =	sshll.u32 s0, $0xA;
	s2 =	sadd.s32 s3, s2  }
0x5: {  	s2 =	sadd.s32 s2, s18  }
0x6: {  	[smem:$0x3FC6] =	sst s2  }
0x7: {  	_ = 	snop  }
0x8: {  	s2 =	sld [smem:$0x3FD0];
	(tm) =	ssettm $0x1  }
0x9: {  	s19 =	sld [smem:$0x3FFB];
	_ =	sdelay $0x3  }
0xa: {  	_ =	strace s19  }
0xb: {  	s3 =	sld [smem:$0x3FFC];
	_ =	sdelay $0x3  }
0xc: {  	_ =	strace s3  }
0xd: {  	s3 =	sld [smem:$0x3FFD];
	_ =	sdelay $0x3  }
0xe: {  	_ =	strace s3  }
0xf: {  	_ =	strace $0x8FFFFFFF  }
0x10: {  	s20 =	sld [smem:$0x3FDB];
	_ =	sdelay $0x1  }
0x11: {  	s4 =	simm.s32 $_scs_section_size  }
0x12: {  	s5 =	simm.s32 $_size__tile_overlayer_lowered;
	s6 =	simm.s32 $_tile_overlayer_lowered  }
0x13: {  	s23 =	simm.s32 $0x1BFF;
	s22 =	sshll.u32 s6, $0x1;
	s3 =	sadd.s32 s4, s20  }
0x14: {  	s7 =	simm.s32 $0x0;
	s21 =	sshll.u32 s5, $0x1;
	s5 =	sadd.s32 s22, s3  }
0x15: {  	[timem:s7], [sflag:s23] =	dma.local [hbm:s5], s21  }
0x16: {  	_ =	swait.ge [sflag:s23], s21  }
0x17: {  	s4 =	ssub.s32 $0x0, s21;
	[sflag:s23] =	ssyncset.done $0x0  }
0x18: {  	[sflag:s23] =	ssyncadd.s32 s4;
	_ =	sdelay $0x1  }
0x19: {  	s24 =	simm.s32 $0x1B8B  }
0x1a: {  	_ =	swait.ge [sflag:s24], $0x1  }
0x1b: {  	[sflag:s24] =	ssyncset.done $0x0  }
0x1c: {  	s26 =	simm.s32 $0x1B8E;
	s25 =	sld [smem:$0x3FFE];
	[sflag:s24] =	ssyncadd.s32 $0xFFFFFFFF  }
0x1d: {  	s27 =	simm.s32 $execute0_lowered;
	[smem:$0x3FD2] =	sst s26  }
0x1e: {  	s5 =	sshll.u32 s27, $0x1;
	_ =	strace $0x80000049;
	[dreg:$0x1] =	wrdreg $0xFFFFFFFF  }
0x1f: {  	s28 =	simm.s32 $_size_execute0_lowered;
	s3 =	sadd.s32 s3, s5;
	[dreg:$0x0] =	wrdreg $0x0  }
0x20: {  	s5 =	sshll.u32 s28, $0x1;
	[dreg:$0x2] =	wrdreg s3  }
0x21: {  	[dreg:$0x3] =	wrdreg s5  }
0x22: {  	[dreg:$0x4] =	wrdreg $0xC0  }
0x23: {  	_ =	task [dreg:s7], $0x5FFFF  }
0x24: {  	[dreg:$0x1] =	wrdreg $0xFFFFFFFF  }
0x25: {  	[dreg:$0x0] =	wrdreg $0x60  }
0x26: {  	[dreg:$0x2] =	wrdreg s25  }
0x27: {  	[dreg:$0x3] =	wrdreg s2  }
0x28: {  	[dreg:$0x4] =	wrdreg $0x9  }
0x29: {  	_ =	task.clear_ibuf [dreg:s7], $0x5FFFF;
	_ =	strace $0x90000049  }
0x2a: {  	s29 =	simm.s32 $0x9;
	_ =	strace $0x8000004B  }
0x2b: {  	_ =	swait.ge [sflag:s29], $0x1  }
0x2c: {  	[sflag:s29] =	ssyncadd.s32 $0xFFFFFFFF  }
0x2d: {  	_ =	strace $0x9000004B  }
0x2e: {  	_ =	sfence  }
0x2f: {  	s30 =	sld [smem:$0x0];
	_ =	sdelay $0x2  }
0x30: {  	s31 =	sshll.u32 s1, $0xD;
	s1 =	sshrl.u32 s1, $0x2  }
0x31: {  	s3 =	sand.u32 $0x4000, s31;
	s1 =	sadd.s32 s1, s30  }
0x32: {  	s0 =	sor.u32 s3, s0;
	s1 =	sshll.u32 s1, $0x11  }
0x33: {  	s0 =	sor.u32 s1, s0  }
0x34: {  	s0 =	sadd.s32 $0x8F2B, s0  }
0x35: {  	[sflag:s0] =	ssyncadd.remote.s32 $0x1  }
0x36: {  	_ =	sfence.sel $0xFFFF  }
0x37: {  	[dreg:$0x0] =	wrdreg $0xFFFFFFFF;
	(pc) =	sbr.abs _section_cstart, $3  }
0x38: {  	[dreg:$0x1] =	wrdreg $0xFFFFFFFF  }
0x39: {  	_ =	task.clear_ibuf [dreg:s7], $0x2FFFF;
	_ =	strace $0x9FFFFFFF  }
0x3a: {  	(tm) =	ssettm $0x7FFFFFFF  }
0x3b: {  	_ =	shalt  }
tec
execute0_lowered:
.L_overlay_start_1:
0x0: {  	(tag) =	ssettag $0x1  }
0x1: {  	s0 =	srdreg.scid  }
0x2: {  	s1 =	sshll.u32 s0, $0x4  }
0x3: {  	s0 =	stileid.u32;
	s1 =	sand.u32 $0x10, s1  }
0x4: {  	s1 =	sor.u32 s0, s1  }
0x5: {  	s6 =	rddreg [dreg:$0x0];
	s4 =	simm.s32 $0x1;
	s2 =	sshll.u32 s1, $0x7  }
0x6: {  	s7 =	simm.s32 $0x2;
	s12 =	simm.s32 $0x0;
	s1 =	ssub.s32 $0x4000, s2  }
0x7: {  	s8 =	simm.s32 $0x20000;
	s13 =	simm.s32 $0x0;
	s3 =	sand.u32 $0xF80, s1  }
0x8: {  	s9 =	simm.s32 $0x0;
	s5 =	sshrl.u32 s1, $0xC;
	p0 =	sne.s32 s3, $0x0  }
.Ltmp0:
0x9: {  	s1 =	rddreg [dreg:$0x2];
	s4 =	simm.s32 @!p0 $0x0;
	(pc) =	sbr.rel .LBB1_1-.Ltmp0, $4  }
0xa: {  	s11 =	simm.s32 $0x0;
	s3 =	rddreg [dreg:$0x1];
	s5 =	sadd.s32 s4, s5  }
0xb: {  	_ =	strace $0x8000004A;
	s4 =	simm.s32 $0x1;
	s5 =	smul.u32 $0x32, s5  }
0xc: {  	s6 =	sadd.s32 $0xA00, s6;
	s10 =	smov.u32 s2;
	[sflag:s4] =	ssyncpa.u1 $0x0  }
0xd: {  	p0 =	por $0x0, $0x0;
	[sflag:s7] =	ssyncpa.u1 $0x0;
	s7 =	sor.u32 $0x1, s5  }
.LBB1_4:
0xe: {  	s16 =	sshll.u32 s13, $0x3;
	s17 =	sand.u32 $0x78, s13  }
0xf: {  	s30 =	sand.u32 $0xF800, s13;
	s12 =	sshll.u32 s12, $0x10;
	s16 =	sand.u32 $0x3C00, s16  }
0x10: {  	s31 =	sand.u32 $0x7, s13;
	s16 =	sor.u32 s17, s16;
	s17 =	sadd.s32 s3, s30  }
0x11: {  	s13 =	sshll.u32 s31, $0x12;
	s16 =	sshrl.u32 s16, $0x3;
	s12 =	sadd.s32 s12, s17  }
0x12: {  	[tilespmem:s15+$0x0 ss:$0x81] =	vst.msk $0xffff, v0;
	s13 =	sor.u32 $0x400, s13;
	s12 =	sadd.s32 s16, s12  }
0x13: {  	[hbm4b:s12+s13] =	stream.strided.scatter [tilespmem:s14], [sflag:$0x2], $0x1000, s8, s13, $0x20;
	[tilespmem:$0x4040] =	vst v63  }
.LBB1_5:
0x14: {  	s14 =	sadd.s32 $0x1, s9  }
0x15: {  	s12 =	sadd.s32 $0x1000, s10;
	s16 =	smov.u32 s10;
	p2 =	sgt.s32 s14, $0x31  }
0x16: {  	s16 =	smov.u32 @p2 s12  }
0x17: {  	s14 =	simm.s32 @p2 $0x0;
	p2 =	sgt.s32 s16, $0x3FFF  }
0x18: {  	s16 =	smov.u32 @p2 s2;
	p2 =	sne.s32 s11, s7  }
.Ltmp1:
0x19: {  	p1 =	slt.u32 s11, $0x2;
	(pc) =	sbr.rel @!p2 .LBB1_6-.Ltmp1, $4  }
0x1a: {  	s15 =	simm.s32 @!p1 $0x2  }
0x1b: {  	s13 =	smov.u32 s10;
	p0 =	por !p0, !p0;
	_ =	swait.ge @!p1 [sflag:s15], $0x1000  }
0x1c: {  	s12 =	smov.u32 s9;
	[sflag:s15] =	ssyncset.done @!p1 $0x0;
	s9 =	smov.u32 s14  }
0x1d: {  	s11 =	sadd.s32 $0x1, s11;
	[sflag:s15] =	ssyncadd.s32 @!p1 $0xFFFFF000;
	s10 =	smov.u32 s16  }
.LBB1_1:
0x1e: {  	p1 =	sge.u32 s11, s5  }
0x1f: {  	s14 =	sand.u32 @!p1 $0x1FFFFFF, s9  }
0x20: {  	s15 =	smulhi.u32 @!p1 $0x4924925, s14;
	_ =	sdelay $0x1  }
0x21: {  	s15 =	smul.u32 @!p1 $0x38, s15  }
0x22: {  	s16 =	sxor.u32 @!p1 $0xFFFFFFFF, s11;
	s17 =	smul.u32 @!p1 $0x380, s10  }
0x23: {  	s31 =	sadd.s32 $0xFFFFFFFF, s11;
	s16 =	sshll.u32 @!p1 s16, $0xC;
	s14 =	ssub.s32 @!p1 s14, s15  }
0x24: {  	s15 =	sand.u32 @!p1 $0x1000, s16;
	s16 =	sadd.s32 @!p1 s6, s17;
	s14 =	sshll.u32 @!p1 s14, $0x4  }
0x25: {  	s17 =	simm.s32 @!p1 $0x1C00;
	s14 =	sadd.s32 @!p1 s14, s16;
	s16 =	simm.s32 @!p1 $0x20  }
0x26: {  	[tilespmem:s15], [sflag:$0x1] =	stream.strided.gather @!p1 [hbm4b:s14+s16], $0x1000, s17, s16, $0x38;
	[tilespmem:$0x4040] =	vst v63  }
0x27: {  	p1 =	sge.u32 s31, s5  }
.Ltmp2:
0x28: {  	_ = 	snop;
	(pc) =	sbr.rel @p1 .LBB1_5-.Ltmp2, $1  }
0x29: {  	_ =	sdelay $0x3  }
0x2a: {  	s14 =	simm.s32 $0x1  }
0x2b: {  	_ =	swait.ge [sflag:s4], $0x1000;
	s14 =	simm.s32 @!p0 $0x0  }
0x2c: {  	[sflag:s4] =	ssyncset.done $0x0;
	s15 =	sshll.u32 s14, $0xC  }
0x2d: {  	[sflag:s4] =	ssyncadd.s32 $0xFFFFF000;
	s18 =	sor.u32 $0x10, s15  }
0x2e: {  	s14 =	smul.u32 $0x4080, s14;
	v1 =	vld [tilespmem:s18+$0x0]  }
0x2f: {  	s30 =	sand.u32 $0x1, s11;
	v0 =	vld [tilespmem:s18+$0xFFFFFFF0]  }
0x30: {  	s15 =	smul.u32 $0x4080, s30;
	s14 =	sshrl.u32 s14, $0x2  }
0x31: {  	s16 =	sor.u32 $0x2000, s14  }
0x32: {  	s31 =	sshrl.u32 s15, $0x2;
	s15 =	sadd.s32 $0x0, s16  }
0x33: {  	s17 =	simm.s32 $0x4;
	s18 =	sadd.s32 $0x20, s18;
	s14 =	sor.u32 $0x2000, s31;
	[tilespmem:s15+$0x810 ss:$0x81] =	vst.msk $0xffff, v1  }
.LBB1_3:
0x34: {  	v1 =	vld [tilespmem:s18+$0x0];
	p1 =	sne.s32 s17, $0x1FC;
	[tilespmem:s15+$0x0 ss:$0x81] =	vst.msk $0xffff, v0;
	s15 =	smov.u32 s17;
	s17 =	sadd.s32 $0x4, s17  }
.Ltmp3:
0x35: {  	v0 =	vld [tilespmem:s18+$0xFFFFFFF0];
	(pc) =	sbr.rel @p1 .LBB1_3-.Ltmp3, $4  }
0x36: {  	_ = 	snop  }
0x37: {  	s15 =	sshra.s32 s15, $0x2  }
0x38: {  	s15 =	sadd.s32 s15, s16  }
0x39: {  	s18 =	sadd.s32 $0x20, s18;
	[tilespmem:s15+$0x810 ss:$0x81] =	vst.msk $0xffff, v1  }
.Ltmp4:
0x3a: {  	_ = 	snop;
	(pc) =	sbr.rel .LBB1_4-.Ltmp4, $1  }
0x3b: {  	_ =	sdelay $0x3  }
.LBB1_6:
0x3c: {  	_ =	sfence.sel $0x180000  }
0x3d: {  	s2 =	simm.s32 $0x1;
	[bflag:$0x0] =	sbarrier.arrive $0xFFFF  }
0x3e: {  	s31 =	simm.s32 $0x2;
	[sflag:s2] =	ssyncpa.u1 $0x1  }
0x3f: {  	[sflag:s31] =	ssyncpa.u1 $0x1  }
0x40: {  	p0 =	sne.s32 s0, $0x0;
	_ =	strace $0x9000004A  }
0x41: {  	s0 =	sadd.s32 @!p0 $0x100000, s1;
	[bflag:$0x2] =	sbarrier.arrive $0xFFFF  }
0x42: {  	[sflag:s0] =	ssyncadd.tile.s32 @!p0 $0x1;
	_ =	shalt  }
.Lfunc_end1:
_tile_overlayer_lowered:
.L_overlay_start_2:
0x43: {  	(tag) =	ssettag $0x2  }
0x44: {  	s0 =	rddreg [dreg:$0x0];
	s2 =	stileid.u32  }
0x45: {  	s1 =	rddreg [dreg:$0x1];
	p0 =	sne.s32 s2, $0x0  }
0x46: {  	s3 =	rddreg [dreg:$0x2];
	[bflag:$0x3] =	sbarrier.arrive $0xFFFF;
	s2 =	simm.s32 @!p0 $0x1C01  }
0x47: {  	[timem:s3], [sflag:s2] =	dma.local @!p0 [hbm:s0], s1  }
0x48: {  	s0 =	simm.s32 @!p0 $0x1  }
0x49: {  	_ =	swait.ge @!p0 [sflag:s0], s1  }
0x4a: {  	s1 =	ssub.s32 @!p0 $0x0, s1;
	[sflag:s0] =	ssyncset.done @!p0 $0x0  }
0x4b: {  	[sflag:s0] =	ssyncadd.s32 @!p0 s1  }
0x4c: {  	[bflag:$0x3] =	sbarrier.arrive $0xFFFF  }
0x4d: {  	_ =	shalt  }

</sc_bundles>
